<compile_context>
chip_gen: v7x
topology: tpu7x:2x2x1
jax: 0.10.2.dev20260603
libtpu: 0.0.44.dev20260713+nightly
codegen_flags: <defaults>
</compile_context>

<pallas_src>
import functools

import jax
import jax.numpy as jnp
from jax import lax
from jax.experimental import pallas as pl
from jax.experimental.pallas import tpu as pltpu
from jax.experimental.pallas import tpu_sc as plsc

N = 10000
E = 160000
C = 128
K_OFF = 27
EPS = 1e-5
SLOPE = 0.01

CH = 128
NTILES = 32
CPT = 40
EP = NTILES * CPT * CH
NCHUNK = EP // CH
NROWS = 10240
ZSLAB = NROWS // 16
WSLAB = 632


def _mm_body(x_ref, w_ref, o_ref):
    o_ref[0] = jnp.dot(x_ref[...], w_ref[0], preferred_element_type=jnp.float32)


def _per_offset_transform(feat, W):
    nblk = 10
    bn = N // nblk
    return pl.pallas_call(
        _mm_body,
        grid=(nblk, K_OFF),
        in_specs=[
            pl.BlockSpec((bn, C), lambda n, k: (n, 0)),
            pl.BlockSpec((1, C, C), lambda n, k: (k, 0, 0)),
        ],
        out_specs=pl.BlockSpec((1, bn, C), lambda n, k: (k, n, 0)),
        out_shape=jax.ShapeDtypeStruct((K_OFF, N, C), jnp.float32),
    )(feat, W)


def _edge_accum_body(y_hbm, src_hbm, dst_hbm, kid_hbm, out_hbm,
                     srcb, kidb, dstb, gidx, rows, accum, sem):
    cid = lax.axis_index("c")
    sid = lax.axis_index("s")
    wid = cid * 16 + sid

    def _zero_row(r, _):
        for j in range(C // 16):
            rows[r, pl.ds(j * 16, 16)] = jnp.zeros((16,), jnp.float32)
        return _
    lax.fori_loop(0, CH, _zero_row, 0)
    for b in range(ZSLAB // CH):
        pltpu.sync_copy(rows, accum.at[pl.ds(sid * ZSLAB + b * CH, CH)])
    plsc.subcore_barrier()

    base = wid * CPT
    pltpu.sync_copy(src_hbm.at[pl.ds(base, CPT)], srcb)
    pltpu.sync_copy(kid_hbm.at[pl.ds(base, CPT)], kidb)
    pltpu.sync_copy(dst_hbm.at[pl.ds(base, CPT)], dstb)

    def _flat_row(c, _):
        for j in range(CH // 16):
            s = pl.ds(j * 16, 16)
            gidx[c, s] = kidb[c, s] * N + srcb[c, s]
        return _
    lax.fori_loop(0, CPT, _flat_row, 0)

    def _chunk(c, _):
        pltpu.async_copy(y_hbm.at[gidx.at[c]], rows, sem).wait()
        pltpu.sync_copy(rows, accum.at[dstb.at[c]], add=True)
        return _
    lax.fori_loop(0, CPT, _chunk, 0)
    plsc.subcore_barrier()

    @pl.when(sid < 15)
    def _full_slab():
        pltpu.sync_copy(accum.at[pl.ds(sid * WSLAB, WSLAB)],
                        out_hbm.at[cid, pl.ds(sid * WSLAB, WSLAB)])

    @pl.when(sid == 15)
    def _tail_slab():
        pltpu.sync_copy(accum.at[pl.ds(15 * WSLAB, N - 15 * WSLAB)],
                        out_hbm.at[cid, pl.ds(15 * WSLAB, N - 15 * WSLAB)])


@functools.partial(
    pl.kernel,
    out_type=jax.ShapeDtypeStruct((2, N, C), jnp.float32),
    mesh=plsc.VectorSubcoreMesh(core_axis_name="c", subcore_axis_name="s"),
    scratch_types=[
        pltpu.VMEM((CPT, CH), jnp.int32),
        pltpu.VMEM((CPT, CH), jnp.int32),
        pltpu.VMEM((CPT, CH), jnp.int32),
        pltpu.VMEM((CPT, CH), jnp.int32),
        pltpu.VMEM((CH, C), jnp.float32),
        pltpu.VMEM_SHARED((NROWS, C), jnp.float32),
        pltpu.SemaphoreType.DMA,
    ],
)
def _edge_accum(y_hbm, src_hbm, dst_hbm, kid_hbm, out_hbm,
                srcb, kidb, dstb, gidx, rows, accum, sem):
    _edge_accum_body(y_hbm, src_hbm, dst_hbm, kid_hbm, out_hbm,
                     srcb, kidb, dstb, gidx, rows, accum, sem)


def _bn1_body(p_ref, g_ref, b_ref, o_ref):
    h = p_ref[0] + p_ref[1]
    a = jnp.where(h >= 0, h, SLOPE * h)
    m = jnp.mean(a, axis=0, keepdims=True)
    d = a - m
    v = jnp.mean(d * d, axis=0, keepdims=True)
    o_ref[...] = g_ref[...] * d * lax.rsqrt(v + EPS) + b_ref[...]


def _lrelu_bn(partials, g, b):
    return pl.pallas_call(
        _bn1_body,
        out_shape=jax.ShapeDtypeStruct((N, C), jnp.float32),
    )(partials, g.reshape(1, C), b.reshape(1, C))


def _bn2_body(p_ref, s_ref, g_ref, b_ref, o_ref):
    h = p_ref[0] + p_ref[1] + s_ref[...]
    m = jnp.mean(h, axis=0, keepdims=True)
    d = h - m
    v = jnp.mean(d * d, axis=0, keepdims=True)
    o_ref[...] = g_ref[...] * d * lax.rsqrt(v + EPS) + b_ref[...]


def _skip_bn(partials, skip, g, b):
    return pl.pallas_call(
        _bn2_body,
        out_shape=jax.ShapeDtypeStruct((N, C), jnp.float32),
    )(partials, skip, g.reshape(1, C), b.reshape(1, C))


def kernel(x, skip, edge_index, kid_trans, kid_up, kid1, kid2, kid3,
           W_trans, W_up, W1, W2, W3,
           g_tbn, b_tbn, g1, b1, g2, b2, g3, b3):
    pad = EP - E
    src = jnp.concatenate([edge_index[0], jnp.zeros((pad,), jnp.int32)])
    dst = jnp.concatenate([edge_index[1], jnp.full((pad,), N, jnp.int32)])
    kt = jnp.concatenate([kid_trans, jnp.zeros((pad,), jnp.int32)])
    ku = jnp.concatenate([kid_up, jnp.zeros((pad,), jnp.int32)])
    src2 = src.reshape(NCHUNK, CH)
    dst2 = dst.reshape(NCHUNK, CH)
    kt2 = kt.reshape(NCHUNK, CH)
    ku2 = ku.reshape(NCHUNK, CH)

    y1 = _per_offset_transform(x, W_trans).reshape(K_OFF * N, C)
    p1 = _edge_accum(y1, src2, dst2, kt2)
    u = _lrelu_bn(p1, g_tbn, b_tbn)
    y2 = _per_offset_transform(u, W_up).reshape(K_OFF * N, C)
    p2 = _edge_accum(y2, src2, dst2, ku2)
    return _skip_bn(p2, skip, g3, b3)

# --- scband reference (transcript-rebuilt; emitter-appended) ---
"""Pipeline reference for scband-up-block-11974368821430 (READ-ONLY COPY).

The authoritative reference and input builder live on the scoring server;
editing this copy changes nothing except your own understanding.
"""

import jax, jax.numpy as jnp
import numpy as np

N = 10000
E = 160000
C_IN = 128
C_OUT = 128
EPS = 1e-5
SLOPE = 0.01


def _subm_conv(feat, W, edge_index, kid):
    # spconv submanifold / inverse conv modeled as offset-labeled message passing:
    # each edge e carries a kernel-offset id kid[e]; message = feat[src] @ W[kid],
    # computed efficiently as a dense per-node per-offset transform + gather.
    src = edge_index[0]
    dst = edge_index[1]
    y = jnp.einsum('nc,kco->nko', feat, W)
    msg = y[src, kid]
    return jax.ops.segment_sum(msg, dst, num_segments=feat.shape[0])


def _bn(h, g, b):
    # BatchNorm1d in training mode (batch statistics, biased variance), eps=1e-5
    m = jnp.mean(h, axis=0)
    v = jnp.var(h, axis=0)
    return g * (h - m) / jnp.sqrt(v + EPS) + b


def _lrelu(h):
    return jnp.where(h >= 0, h, SLOPE * h)


def setup_inputs(seed: int = 0):
    key = jax.random.key(seed)
    ks = jax.random.split(key, 16)
    x = jax.random.normal(ks[0], (N, C_IN), dtype=jnp.float32)
    skip = jax.random.normal(ks[1], (N, C_OUT), dtype=jnp.float32)
    edge_index = jax.random.randint(ks[2], (2, E), 0, N, dtype=jnp.int32)
    kid_trans = jax.random.randint(ks[3], (E,), 0, 27, dtype=jnp.int32)
    kid_up = jax.random.randint(ks[4], (E,), 0, 27, dtype=jnp.int32)
    kid1 = jax.random.randint(ks[5], (E,), 0, 9, dtype=jnp.int32)
    kid2 = jax.random.randint(ks[6], (E,), 0, 9, dtype=jnp.int32)
    kid3 = jax.random.randint(ks[7], (E,), 0, 27, dtype=jnp.int32)
    W_trans = jax.random.normal(ks[8], (27, C_IN, C_OUT), dtype=jnp.float32) / np.sqrt(27 * C_IN)
    W_up = jax.random.normal(ks[9], (27, C_OUT, C_OUT), dtype=jnp.float32) / np.sqrt(27 * C_OUT)
    W1 = jax.random.normal(ks[10], (9, C_OUT, C_OUT), dtype=jnp.float32) / np.sqrt(9 * C_OUT)
    W2 = jax.random.normal(ks[11], (9, C_OUT, C_OUT), dtype=jnp.float32) / np.sqrt(9 * C_OUT)
    W3 = jax.random.normal(ks[12], (27, C_OUT, C_OUT), dtype=jnp.float32) / np.sqrt(27 * C_OUT)
    ones = jnp.ones((C_OUT,), dtype=jnp.float32)
    zeros = jnp.zeros((C_OUT,), dtype=jnp.float32)
    return {
        'x': x, 'skip': skip, 'edge_index': edge_index,
        'kid_trans': kid_trans, 'kid_up': kid_up, 'kid1': kid1, 'kid2': kid2, 'kid3': kid3,
        'W_trans': W_trans, 'W_up': W_up, 'W1': W1, 'W2': W2, 'W3': W3,
        'g_tbn': ones, 'b_tbn': zeros,
        'g1': ones, 'b1': zeros, 'g2': ones, 'b2': zeros, 'g3': ones, 'b3': zeros,
    }


def reference(x, skip, edge_index, kid_trans, kid_up, kid1, kid2, kid3,
              W_trans, W_up, W1, W2, W3,
              g_tbn, b_tbn, g1, b1, g2, b2, g3, b3):
    # trans_dilao (3x3x3 SubMConv3d) -> LeakyReLU -> BatchNorm1d
    upA = _subm_conv(x, W_trans, edge_index, kid_trans)
    upA = _lrelu(upA)
    upA = _bn(upA, g_tbn, b_tbn)
    # up_subm (SparseInverseConv3d 3x3x3), then residual add with skip features
    upA = _subm_conv(upA, W_up, edge_index, kid_up)
    upA = upA + skip
    # NOTE: the original forward overwrites upE with functions of upA.features each
    # time, so conv1/conv2/conv3 outputs are dead. Reproduced faithfully below.
    upE = _subm_conv(upA, W1, edge_index, kid1)
    upE = _lrelu(upA)
    upE = _bn(upA, g1, b1)
    upE = _subm_conv(upE, W2, edge_index, kid2)
    upE = _lrelu(upA)
    upE = _bn(upA, g2, b2)
    upE = _subm_conv(upE, W3, edge_index, kid3)
    upE = _lrelu(upA)
    upE = _bn(upA, g3, b3)
    return upE

if __name__ == "__main__":
    import jax
    _d = setup_inputs()
    print(jax.jit(kernel)(*tuple(_d.values())))

</pallas_src>

<mosaic_0001>
#map = affine_map<(d0, d1) -> (0, 0)>
#map1 = affine_map<(d0, d1) -> (0, 0, 0)>
module attributes {stable_mosaic.version = 14 : i64} {
  func.func @_edge_accum(%arg0: i32, %arg1: i32, %arg2: memref<270000x128xf32, #tpu.memory_space<hbm>>, %arg3: memref<1280x128xi32, #tpu.memory_space<hbm>>, %arg4: memref<1280x128xi32, #tpu.memory_space<hbm>>, %arg5: memref<1280x128xi32, #tpu.memory_space<hbm>>, %arg6: memref<2x10000x128xf32, #tpu.memory_space<hbm>>, %arg7: memref<40x128xi32, #tpu.memory_space<vmem>>, %arg8: memref<40x128xi32, #tpu.memory_space<vmem>>, %arg9: memref<40x128xi32, #tpu.memory_space<vmem>>, %arg10: memref<40x128xi32, #tpu.memory_space<vmem>>, %arg11: memref<128x128xf32, #tpu.memory_space<vmem>>, %arg12: memref<10240x128xf32, #tpu.memory_space<vmem_shared>>, %arg13: memref<!tpu.dma_semaphore, #tpu.memory_space<semaphore_mem>>) attributes {dimension_semantics = [#tpu.dimension_semantics<core_parallel>, #tpu.dimension_semantics<subcore_parallel>], iteration_bounds = array<i64: 2, 16>, scalar_prefetch = 0 : i64, scratch_operands = 7 : i64, tpu.core_type = #tpu.core_type<sc_vector_subcore>, window_params = [{transform_indices = #map}, {transform_indices = #map}, {transform_indices = #map}, {transform_indices = #map}, {transform_indices = #map1}]} {
    %mul3A = arith.constant 16 : i32
    %mul3A_0 = arith.muli %arg0, %mul3A : i32
    %add3A = arith.addi %mul3A_0, %arg1 : i32
    %scan3A = arith.constant 0 : i32
    %scan3A_1 = arith.constant 0 : i32
    %scan3A_2 = arith.constant 128 : i32
    %scan3A_3 = arith.addi %scan3A_1, %scan3A_2 : i32
    %scan3A_4 = arith.constant 1 : i32
    scf.for %scan3A_47 = %scan3A_1 to %scan3A_3 step %scan3A_4  : i32 {
      %broadcast_in_dim3A = arith.constant 0.000000e+00 : f32
      %broadcast_in_dim3A_48 = vector.broadcast %broadcast_in_dim3A : f32 to vector<16xf32>
      %swap3A = arith.index_cast %scan3A_47 : i32 to index
      %swap3A_49 = arith.constant 0 : index
      %swap3A_50 = tpu.vector_load %arg11[%swap3A, %swap3A_49] {strides = array<i32>} : memref<128x128xf32, #tpu.memory_space<vmem>>, vector<1x16xf32>,
      %swap3A_51 = vector.shape_cast %swap3A_50 : vector<1x16xf32> to vector<16xf32>
      %swap3A_52 = vector.shape_cast %broadcast_in_dim3A_48 : vector<16xf32> to vector<1x16xf32>
      tpu.vector_store %arg11[%swap3A, %swap3A_49], %swap3A_52 {strides = array<i32>} : memref<128x128xf32, #tpu.memory_space<vmem>>, vector<1x16xf32>,
      %broadcast_in_dim3A_53 = arith.constant 0.000000e+00 : f32
      %broadcast_in_dim3A_54 = vector.broadcast %broadcast_in_dim3A_53 : f32 to vector<16xf32>
      %swap3A_55 = arith.index_cast %scan3A_47 : i32 to index
      %swap3A_56 = arith.constant 16 : index
      %swap3A_57 = tpu.vector_load %arg11[%swap3A_55, %swap3A_56] {strides = array<i32>} : memref<128x128xf32, #tpu.memory_space<vmem>>, vector<1x16xf32>,
      %swap3A_58 = vector.shape_cast %swap3A_57 : vector<1x16xf32> to vector<16xf32>
      %swap3A_59 = vector.shape_cast %broadcast_in_dim3A_54 : vector<16xf32> to vector<1x16xf32>
      tpu.vector_store %arg11[%swap3A_55, %swap3A_56], %swap3A_59 {strides = array<i32>} : memref<128x128xf32, #tpu.memory_space<vmem>>, vector<1x16xf32>,
      %broadcast_in_dim3A_60 = arith.constant 0.000000e+00 : f32
      %broadcast_in_dim3A_61 = vector.broadcast %broadcast_in_dim3A_60 : f32 to vector<16xf32>
      %swap3A_62 = arith.index_cast %scan3A_47 : i32 to index
      %swap3A_63 = arith.constant 32 : index
      %swap3A_64 = tpu.vector_load %arg11[%swap3A_62, %swap3A_63] {strides = array<i32>} : memref<128x128xf32, #tpu.memory_space<vmem>>, vector<1x16xf32>,
      %swap3A_65 = vector.shape_cast %swap3A_64 : vector<1x16xf32> to vector<16xf32>
      %swap3A_66 = vector.shape_cast %broadcast_in_dim3A_61 : vector<16xf32> to vector<1x16xf32>
      tpu.vector_store %arg11[%swap3A_62, %swap3A_63], %swap3A_66 {strides = array<i32>} : memref<128x128xf32, #tpu.memory_space<vmem>>, vector<1x16xf32>,
      %broadcast_in_dim3A_67 = arith.constant 0.000000e+00 : f32
      %broadcast_in_dim3A_68 = vector.broadcast %broadcast_in_dim3A_67 : f32 to vector<16xf32>
      %swap3A_69 = arith.index_cast %scan3A_47 : i32 to index
      %swap3A_70 = arith.constant 48 : index
      %swap3A_71 = tpu.vector_load %arg11[%swap3A_69, %swap3A_70] {strides = array<i32>} : memref<128x128xf32, #tpu.memory_space<vmem>>, vector<1x16xf32>,
      %swap3A_72 = vector.shape_cast %swap3A_71 : vector<1x16xf32> to vector<16xf32>
      %swap3A_73 = vector.shape_cast %broadcast_in_dim3A_68 : vector<16xf32> to vector<1x16xf32>
      tpu.vector_store %arg11[%swap3A_69, %swap3A_70], %swap3A_73 {strides = array<i32>} : memref<128x128xf32, #tpu.memory_space<vmem>>, vector<1x16xf32>,
      %broadcast_in_dim3A_74 = arith.constant 0.000000e+00 : f32
      %broadcast_in_dim3A_75 = vector.broadcast %broadcast_in_dim3A_74 : f32 to vector<16xf32>
      %swap3A_76 = arith.index_cast %scan3A_47 : i32 to index
      %swap3A_77 = arith.constant 64 : index
      %swap3A_78 = tpu.vector_load %arg11[%swap3A_76, %swap3A_77] {strides = array<i32>} : memref<128x128xf32, #tpu.memory_space<vmem>>, vector<1x16xf32>,
      %swap3A_79 = vector.shape_cast %swap3A_78 : vector<1x16xf32> to vector<16xf32>
      %swap3A_80 = vector.shape_cast %broadcast_in_dim3A_75 : vector<16xf32> to vector<1x16xf32>
      tpu.vector_store %arg11[%swap3A_76, %swap3A_77], %swap3A_80 {strides = array<i32>} : memref<128x128xf32, #tpu.memory_space<vmem>>, vector<1x16xf32>,
      %broadcast_in_dim3A_81 = arith.constant 0.000000e+00 : f32
      %broadcast_in_dim3A_82 = vector.broadcast %broadcast_in_dim3A_81 : f32 to vector<16xf32>
      %swap3A_83 = arith.index_cast %scan3A_47 : i32 to index
      %swap3A_84 = arith.constant 80 : index
      %swap3A_85 = tpu.vector_load %arg11[%swap3A_83, %swap3A_84] {strides = array<i32>} : memref<128x128xf32, #tpu.memory_space<vmem>>, vector<1x16xf32>,
      %swap3A_86 = vector.shape_cast %swap3A_85 : vector<1x16xf32> to vector<16xf32>
      %swap3A_87 = vector.shape_cast %broadcast_in_dim3A_82 : vector<16xf32> to vector<1x16xf32>
      tpu.vector_store %arg11[%swap3A_83, %swap3A_84], %swap3A_87 {strides = array<i32>} : memref<128x128xf32, #tpu.memory_space<vmem>>, vector<1x16xf32>,
      %broadcast_in_dim3A_88 = arith.constant 0.000000e+00 : f32
      %broadcast_in_dim3A_89 = vector.broadcast %broadcast_in_dim3A_88 : f32 to vector<16xf32>
      %swap3A_90 = arith.index_cast %scan3A_47 : i32 to index
      %swap3A_91 = arith.constant 96 : index
      %swap3A_92 = tpu.vector_load %arg11[%swap3A_90, %swap3A_91] {strides = array<i32>} : memref<128x128xf32, #tpu.memory_space<vmem>>, vector<1x16xf32>,
      %swap3A_93 = vector.shape_cast %swap3A_92 : vector<1x16xf32> to vector<16xf32>
      %swap3A_94 = vector.shape_cast %broadcast_in_dim3A_89 : vector<16xf32> to vector<1x16xf32>
      tpu.vector_store %arg11[%swap3A_90, %swap3A_91], %swap3A_94 {strides = array<i32>} : memref<128x128xf32, #tpu.memory_space<vmem>>, vector<1x16xf32>,
      %broadcast_in_dim3A_95 = arith.constant 0.000000e+00 : f32
      %broadcast_in_dim3A_96 = vector.broadcast %broadcast_in_dim3A_95 : f32 to vector<16xf32>
      %swap3A_97 = arith.index_cast %scan3A_47 : i32 to index
      %swap3A_98 = arith.constant 112 : index
      %swap3A_99 = tpu.vector_load %arg11[%swap3A_97, %swap3A_98] {strides = array<i32>} : memref<128x128xf32, #tpu.memory_space<vmem>>, vector<1x16xf32>,
      %swap3A_100 = vector.shape_cast %swap3A_99 : vector<1x16xf32> to vector<16xf32>
      %swap3A_101 = vector.shape_cast %broadcast_in_dim3A_96 : vector<16xf32> to vector<1x16xf32>
      tpu.vector_store %arg11[%swap3A_97, %swap3A_98], %swap3A_101 {strides = array<i32>} : memref<128x128xf32, #tpu.memory_space<vmem>>, vector<1x16xf32>,
    }
    %scan3A_5 = arith.constant 128 : i32
    %mul3A_6 = arith.constant 640 : i32
    %mul3A_7 = arith.muli %arg1, %mul3A_6 : i32
    %add3A_8 = arith.constant 0 : i32
    %add3A_9 = arith.addi %mul3A_7, %add3A_8 : i32
    "tpu.region"() ({
      %run_scoped3A = tpu.sem_alloc : memref<!tpu.dma_semaphore, #tpu.memory_space<semaphore_mem>>
      %dma_start3A = arith.constant 0 : i32
      %dma_start3A_47 = tpu.memref_slice %arg12[%add3A_9, %dma_start3A] : memref<10240x128xf32, #tpu.memory_space<vmem_shared>> -> memref<128x128xf32, #tpu.memory_space<vmem_shared>>
      %dma_start3A_48 = arith.constant 0 : i32
      %dma_start3A_49 = tpu.memref_slice %arg12[%add3A_9, %dma_start3A_48] : memref<10240x128xf32, #tpu.memory_space<vmem_shared>> -> memref<128x128xf32, #tpu.memory_space<vmem_shared>>
      tpu.enqueue_dma source(%arg11 : memref<128x128xf32, #tpu.memory_space<vmem>>) target(%dma_start3A_49 : memref<128x128xf32, #tpu.memory_space<vmem_shared>>) target_semaphore(%run_scoped3A : memref<!tpu.dma_semaphore, #tpu.memory_space<semaphore_mem>>)
      %dma_wait3A = arith.constant 0 : i32
      %dma_wait3A_50 = tpu.memref_slice %arg12[%add3A_9, %dma_wait3A] : memref<10240x128xf32, #tpu.memory_space<vmem_shared>> -> memref<128x128xf32, #tpu.memory_space<vmem_shared>>
      %dma_wait3A_51 = arith.constant 0 : i32
      %dma_wait3A_52 = tpu.memref_slice %arg12[%add3A_9, %dma_wait3A_51] : memref<10240x128xf32, #tpu.memory_space<vmem_shared>> -> memref<128x128xf32, #tpu.memory_space<vmem_shared>>
      tpu.wait_dma2 semaphore(%run_scoped3A : memref<!tpu.dma_semaphore, #tpu.memory_space<semaphore_mem>>) src(%arg11 : memref<128x128xf32, #tpu.memory_space<vmem>>) dst(%dma_wait3A_52 : memref<128x128xf32, #tpu.memory_space<vmem_shared>>)
      tpu.yield
    }) : () -> ()
    %mul3A_10 = arith.constant 640 : i32
    %mul3A_11 = arith.muli %arg1, %mul3A_10 : i32
    %add3A_12 = arith.constant 128 : i32
    %add3A_13 = arith.addi %mul3A_11, %add3A_12 : i32
    "tpu.region"() ({
      %run_scoped3A = tpu.sem_alloc : memref<!tpu.dma_semaphore, #tpu.memory_space<semaphore_mem>>
      %dma_start3A = arith.constant 0 : i32
      %dma_start3A_47 = tpu.memref_slice %arg12[%add3A_13, %dma_start3A] : memref<10240x128xf32, #tpu.memory_space<vmem_shared>> -> memref<128x128xf32, #tpu.memory_space<vmem_shared>>
      %dma_start3A_48 = arith.constant 0 : i32
      %dma_start3A_49 = tpu.memref_slice %arg12[%add3A_13, %dma_start3A_48] : memref<10240x128xf32, #tpu.memory_space<vmem_shared>> -> memref<128x128xf32, #tpu.memory_space<vmem_shared>>
      tpu.enqueue_dma source(%arg11 : memref<128x128xf32, #tpu.memory_space<vmem>>) target(%dma_start3A_49 : memref<128x128xf32, #tpu.memory_space<vmem_shared>>) target_semaphore(%run_scoped3A : memref<!tpu.dma_semaphore, #tpu.memory_space<semaphore_mem>>)
      %dma_wait3A = arith.constant 0 : i32
      %dma_wait3A_50 = tpu.memref_slice %arg12[%add3A_13, %dma_wait3A] : memref<10240x128xf32, #tpu.memory_space<vmem_shared>> -> memref<128x128xf32, #tpu.memory_space<vmem_shared>>
      %dma_wait3A_51 = arith.constant 0 : i32
      %dma_wait3A_52 = tpu.memref_slice %arg12[%add3A_13, %dma_wait3A_51] : memref<10240x128xf32, #tpu.memory_space<vmem_shared>> -> memref<128x128xf32, #tpu.memory_space<vmem_shared>>
      tpu.wait_dma2 semaphore(%run_scoped3A : memref<!tpu.dma_semaphore, #tpu.memory_space<semaphore_mem>>) src(%arg11 : memref<128x128xf32, #tpu.memory_space<vmem>>) dst(%dma_wait3A_52 : memref<128x128xf32, #tpu.memory_space<vmem_shared>>)
      tpu.yield
    }) : () -> ()
    %mul3A_14 = arith.constant 640 : i32
    %mul3A_15 = arith.muli %arg1, %mul3A_14 : i32
    %add3A_16 = arith.constant 256 : i32
    %add3A_17 = arith.addi %mul3A_15, %add3A_16 : i32
    "tpu.region"() ({
      %run_scoped3A = tpu.sem_alloc : memref<!tpu.dma_semaphore, #tpu.memory_space<semaphore_mem>>
      %dma_start3A = arith.constant 0 : i32
      %dma_start3A_47 = tpu.memref_slice %arg12[%add3A_17, %dma_start3A] : memref<10240x128xf32, #tpu.memory_space<vmem_shared>> -> memref<128x128xf32, #tpu.memory_space<vmem_shared>>
      %dma_start3A_48 = arith.constant 0 : i32
      %dma_start3A_49 = tpu.memref_slice %arg12[%add3A_17, %dma_start3A_48] : memref<10240x128xf32, #tpu.memory_space<vmem_shared>> -> memref<128x128xf32, #tpu.memory_space<vmem_shared>>
      tpu.enqueue_dma source(%arg11 : memref<128x128xf32, #tpu.memory_space<vmem>>) target(%dma_start3A_49 : memref<128x128xf32, #tpu.memory_space<vmem_shared>>) target_semaphore(%run_scoped3A : memref<!tpu.dma_semaphore, #tpu.memory_space<semaphore_mem>>)
      %dma_wait3A = arith.constant 0 : i32
      %dma_wait3A_50 = tpu.memref_slice %arg12[%add3A_17, %dma_wait3A] : memref<10240x128xf32, #tpu.memory_space<vmem_shared>> -> memref<128x128xf32, #tpu.memory_space<vmem_shared>>
      %dma_wait3A_51 = arith.constant 0 : i32
      %dma_wait3A_52 = tpu.memref_slice %arg12[%add3A_17, %dma_wait3A_51] : memref<10240x128xf32, #tpu.memory_space<vmem_shared>> -> memref<128x128xf32, #tpu.memory_space<vmem_shared>>
      tpu.wait_dma2 semaphore(%run_scoped3A : memref<!tpu.dma_semaphore, #tpu.memory_space<semaphore_mem>>) src(%arg11 : memref<128x128xf32, #tpu.memory_space<vmem>>) dst(%dma_wait3A_52 : memref<128x128xf32, #tpu.memory_space<vmem_shared>>)
      tpu.yield
    }) : () -> ()
    %mul3A_18 = arith.constant 640 : i32
    %mul3A_19 = arith.muli %arg1, %mul3A_18 : i32
    %add3A_20 = arith.constant 384 : i32
    %add3A_21 = arith.addi %mul3A_19, %add3A_20 : i32
    "tpu.region"() ({
      %run_scoped3A = tpu.sem_alloc : memref<!tpu.dma_semaphore, #tpu.memory_space<semaphore_mem>>
      %dma_start3A = arith.constant 0 : i32
      %dma_start3A_47 = tpu.memref_slice %arg12[%add3A_21, %dma_start3A] : memref<10240x128xf32, #tpu.memory_space<vmem_shared>> -> memref<128x128xf32, #tpu.memory_space<vmem_shared>>
      %dma_start3A_48 = arith.constant 0 : i32
      %dma_start3A_49 = tpu.memref_slice %arg12[%add3A_21, %dma_start3A_48] : memref<10240x128xf32, #tpu.memory_space<vmem_shared>> -> memref<128x128xf32, #tpu.memory_space<vmem_shared>>
      tpu.enqueue_dma source(%arg11 : memref<128x128xf32, #tpu.memory_space<vmem>>) target(%dma_start3A_49 : memref<128x128xf32, #tpu.memory_space<vmem_shared>>) target_semaphore(%run_scoped3A : memref<!tpu.dma_semaphore, #tpu.memory_space<semaphore_mem>>)
      %dma_wait3A = arith.constant 0 : i32
      %dma_wait3A_50 = tpu.memref_slice %arg12[%add3A_21, %dma_wait3A] : memref<10240x128xf32, #tpu.memory_space<vmem_shared>> -> memref<128x128xf32, #tpu.memory_space<vmem_shared>>
      %dma_wait3A_51 = arith.constant 0 : i32
      %dma_wait3A_52 = tpu.memref_slice %arg12[%add3A_21, %dma_wait3A_51] : memref<10240x128xf32, #tpu.memory_space<vmem_shared>> -> memref<128x128xf32, #tpu.memory_space<vmem_shared>>
      tpu.wait_dma2 semaphore(%run_scoped3A : memref<!tpu.dma_semaphore, #tpu.memory_space<semaphore_mem>>) src(%arg11 : memref<128x128xf32, #tpu.memory_space<vmem>>) dst(%dma_wait3A_52 : memref<128x128xf32, #tpu.memory_space<vmem_shared>>)
      tpu.yield
    }) : () -> ()
    %mul3A_22 = arith.constant 640 : i32
    %mul3A_23 = arith.muli %arg1, %mul3A_22 : i32
    %add3A_24 = arith.constant 512 : i32
    %add3A_25 = arith.addi %mul3A_23, %add3A_24 : i32
    "tpu.region"() ({
      %run_scoped3A = tpu.sem_alloc : memref<!tpu.dma_semaphore, #tpu.memory_space<semaphore_mem>>
      %dma_start3A = arith.constant 0 : i32
      %dma_start3A_47 = tpu.memref_slice %arg12[%add3A_25, %dma_start3A] : memref<10240x128xf32, #tpu.memory_space<vmem_shared>> -> memref<128x128xf32, #tpu.memory_space<vmem_shared>>
      %dma_start3A_48 = arith.constant 0 : i32
      %dma_start3A_49 = tpu.memref_slice %arg12[%add3A_25, %dma_start3A_48] : memref<10240x128xf32, #tpu.memory_space<vmem_shared>> -> memref<128x128xf32, #tpu.memory_space<vmem_shared>>
      tpu.enqueue_dma source(%arg11 : memref<128x128xf32, #tpu.memory_space<vmem>>) target(%dma_start3A_49 : memref<128x128xf32, #tpu.memory_space<vmem_shared>>) target_semaphore(%run_scoped3A : memref<!tpu.dma_semaphore, #tpu.memory_space<semaphore_mem>>)
      %dma_wait3A = arith.constant 0 : i32
      %dma_wait3A_50 = tpu.memref_slice %arg12[%add3A_25, %dma_wait3A] : memref<10240x128xf32, #tpu.memory_space<vmem_shared>> -> memref<128x128xf32, #tpu.memory_space<vmem_shared>>
      %dma_wait3A_51 = arith.constant 0 : i32
      %dma_wait3A_52 = tpu.memref_slice %arg12[%add3A_25, %dma_wait3A_51] : memref<10240x128xf32, #tpu.memory_space<vmem_shared>> -> memref<128x128xf32, #tpu.memory_space<vmem_shared>>
      tpu.wait_dma2 semaphore(%run_scoped3A : memref<!tpu.dma_semaphore, #tpu.memory_space<semaphore_mem>>) src(%arg11 : memref<128x128xf32, #tpu.memory_space<vmem>>) dst(%dma_wait3A_52 : memref<128x128xf32, #tpu.memory_space<vmem_shared>>)
      tpu.yield
    }) : () -> ()
    %barrier3A = arith.constant 0 : index
    tpu.barrier barrier_id(%barrier3A)
    %mul3A_26 = arith.constant 40 : i32
    %mul3A_27 = arith.muli %add3A, %mul3A_26 : i32
    "tpu.region"() ({
      %run_scoped3A = tpu.sem_alloc : memref<!tpu.dma_semaphore, #tpu.memory_space<semaphore_mem>>
      %dma_start3A = arith.constant 0 : i32
      %dma_start3A_47 = tpu.memref_slice %arg3[%mul3A_27, %dma_start3A] : memref<1280x128xi32, #tpu.memory_space<hbm>> -> memref<40x128xi32, #tpu.memory_space<hbm>>
      %dma_start3A_48 = arith.constant 0 : i32
      %dma_start3A_49 = tpu.memref_slice %arg3[%mul3A_27, %dma_start3A_48] : memref<1280x128xi32, #tpu.memory_space<hbm>> -> memref<40x128xi32, #tpu.memory_space<hbm>>
      tpu.enqueue_dma source(%dma_start3A_49 : memref<40x128xi32, #tpu.memory_space<hbm>>) target(%arg7 : memref<40x128xi32, #tpu.memory_space<vmem>>) target_semaphore(%run_scoped3A : memref<!tpu.dma_semaphore, #tpu.memory_space<semaphore_mem>>)
      %dma_wait3A = arith.constant 0 : i32
      %dma_wait3A_50 = tpu.memref_slice %arg3[%mul3A_27, %dma_wait3A] : memref<1280x128xi32, #tpu.memory_space<hbm>> -> memref<40x128xi32, #tpu.memory_space<hbm>>
      %dma_wait3A_51 = arith.constant 0 : i32
      %dma_wait3A_52 = tpu.memref_slice %arg3[%mul3A_27, %dma_wait3A_51] : memref<1280x128xi32, #tpu.memory_space<hbm>> -> memref<40x128xi32, #tpu.memory_space<hbm>>
      tpu.wait_dma2 semaphore(%run_scoped3A : memref<!tpu.dma_semaphore, #tpu.memory_space<semaphore_mem>>) src(%dma_wait3A_52 : memref<40x128xi32, #tpu.memory_space<hbm>>) dst(%arg7 : memref<40x128xi32, #tpu.memory_space<vmem>>)
      tpu.yield
    }) : () -> ()
    "tpu.region"() ({
      %run_scoped3A = tpu.sem_alloc : memref<!tpu.dma_semaphore, #tpu.memory_space<semaphore_mem>>
      %dma_start3A = arith.constant 0 : i32
      %dma_start3A_47 = tpu.memref_slice %arg5[%mul3A_27, %dma_start3A] : memref<1280x128xi32, #tpu.memory_space<hbm>> -> memref<40x128xi32, #tpu.memory_space<hbm>>
      %dma_start3A_48 = arith.constant 0 : i32
      %dma_start3A_49 = tpu.memref_slice %arg5[%mul3A_27, %dma_start3A_48] : memref<1280x128xi32, #tpu.memory_space<hbm>> -> memref<40x128xi32, #tpu.memory_space<hbm>>
      tpu.enqueue_dma source(%dma_start3A_49 : memref<40x128xi32, #tpu.memory_space<hbm>>) target(%arg8 : memref<40x128xi32, #tpu.memory_space<vmem>>) target_semaphore(%run_scoped3A : memref<!tpu.dma_semaphore, #tpu.memory_space<semaphore_mem>>)
      %dma_wait3A = arith.constant 0 : i32
      %dma_wait3A_50 = tpu.memref_slice %arg5[%mul3A_27, %dma_wait3A] : memref<1280x128xi32, #tpu.memory_space<hbm>> -> memref<40x128xi32, #tpu.memory_space<hbm>>
      %dma_wait3A_51 = arith.constant 0 : i32
      %dma_wait3A_52 = tpu.memref_slice %arg5[%mul3A_27, %dma_wait3A_51] : memref<1280x128xi32, #tpu.memory_space<hbm>> -> memref<40x128xi32, #tpu.memory_space<hbm>>
      tpu.wait_dma2 semaphore(%run_scoped3A : memref<!tpu.dma_semaphore, #tpu.memory_space<semaphore_mem>>) src(%dma_wait3A_52 : memref<40x128xi32, #tpu.memory_space<hbm>>) dst(%arg8 : memref<40x128xi32, #tpu.memory_space<vmem>>)
      tpu.yield
    }) : () -> ()
    "tpu.region"() ({
      %run_scoped3A = tpu.sem_alloc : memref<!tpu.dma_semaphore, #tpu.memory_space<semaphore_mem>>
      %dma_start3A = arith.constant 0 : i32
      %dma_start3A_47 = tpu.memref_slice %arg4[%mul3A_27, %dma_start3A] : memref<1280x128xi32, #tpu.memory_space<hbm>> -> memref<40x128xi32, #tpu.memory_space<hbm>>
      %dma_start3A_48 = arith.constant 0 : i32
      %dma_start3A_49 = tpu.memref_slice %arg4[%mul3A_27, %dma_start3A_48] : memref<1280x128xi32, #tpu.memory_space<hbm>> -> memref<40x128xi32, #tpu.memory_space<hbm>>
      tpu.enqueue_dma source(%dma_start3A_49 : memref<40x128xi32, #tpu.memory_space<hbm>>) target(%arg9 : memref<40x128xi32, #tpu.memory_space<vmem>>) target_semaphore(%run_scoped3A : memref<!tpu.dma_semaphore, #tpu.memory_space<semaphore_mem>>)
      %dma_wait3A = arith.constant 0 : i32
      %dma_wait3A_50 = tpu.memref_slice %arg4[%mul3A_27, %dma_wait3A] : memref<1280x128xi32, #tpu.memory_space<hbm>> -> memref<40x128xi32, #tpu.memory_space<hbm>>
      %dma_wait3A_51 = arith.constant 0 : i32
      %dma_wait3A_52 = tpu.memref_slice %arg4[%mul3A_27, %dma_wait3A_51] : memref<1280x128xi32, #tpu.memory_space<hbm>> -> memref<40x128xi32, #tpu.memory_space<hbm>>
      tpu.wait_dma2 semaphore(%run_scoped3A : memref<!tpu.dma_semaphore, #tpu.memory_space<semaphore_mem>>) src(%dma_wait3A_52 : memref<40x128xi32, #tpu.memory_space<hbm>>) dst(%arg9 : memref<40x128xi32, #tpu.memory_space<vmem>>)
      tpu.yield
    }) : () -> ()
    %scan3A_28 = arith.constant 0 : i32
    %scan3A_29 = arith.constant 0 : i32
    %scan3A_30 = arith.constant 40 : i32
    %scan3A_31 = arith.addi %scan3A_29, %scan3A_30 : i32
    %scan3A_32 = arith.constant 1 : i32
    scf.for %scan3A_47 = %scan3A_29 to %scan3A_31 step %scan3A_32  : i32 {
      %get3A = arith.index_cast %scan3A_47 : i32 to index
      %get3A_48 = arith.constant 0 : index
      %get3A_49 = tpu.vector_load %arg8[%get3A, %get3A_48] {strides = array<i32>} : memref<40x128xi32, #tpu.memory_space<vmem>>, vector<1x16xi32>,
      %get3A_50 = vector.shape_cast %get3A_49 : vector<1x16xi32> to vector<16xi32>
      %mul3A_51 = arith.constant 10000 : i32
      %mul3A_52 = vector.broadcast %mul3A_51 : i32 to vector<16xi32>
      %mul3A_53 = arith.muli %get3A_50, %mul3A_52 : vector<16xi32>
      %get3A_54 = arith.index_cast %scan3A_47 : i32 to index
      %get3A_55 = arith.constant 0 : index
      %get3A_56 = tpu.vector_load %arg7[%get3A_54, %get3A_55] {strides = array<i32>} : memref<40x128xi32, #tpu.memory_space<vmem>>, vector<1x16xi32>,
      %get3A_57 = vector.shape_cast %get3A_56 : vector<1x16xi32> to vector<16xi32>
      %add3A_58 = arith.addi %mul3A_53, %get3A_57 : vector<16xi32>
      %swap3A = arith.index_cast %scan3A_47 : i32 to index
      %swap3A_59 = arith.constant 0 : index
      %swap3A_60 = tpu.vector_load %arg10[%swap3A, %swap3A_59] {strides = array<i32>} : memref<40x128xi32, #tpu.memory_space<vmem>>, vector<1x16xi32>,
      %swap3A_61 = vector.shape_cast %swap3A_60 : vector<1x16xi32> to vector<16xi32>
      %swap3A_62 = vector.shape_cast %add3A_58 : vector<16xi32> to vector<1x16xi32>
      tpu.vector_store %arg10[%swap3A, %swap3A_59], %swap3A_62 {strides = array<i32>} : memref<40x128xi32, #tpu.memory_space<vmem>>, vector<1x16xi32>,
      %get3A_63 = arith.index_cast %scan3A_47 : i32 to index
      %get3A_64 = arith.constant 16 : index
      %get3A_65 = tpu.vector_load %arg8[%get3A_63, %get3A_64] {strides = array<i32>} : memref<40x128xi32, #tpu.memory_space<vmem>>, vector<1x16xi32>,
      %get3A_66 = vector.shape_cast %get3A_65 : vector<1x16xi32> to vector<16xi32>
      %mul3A_67 = arith.constant 10000 : i32
      %mul3A_68 = vector.broadcast %mul3A_67 : i32 to vector<16xi32>
      %mul3A_69 = arith.muli %get3A_66, %mul3A_68 : vector<16xi32>
      %get3A_70 = arith.index_cast %scan3A_47 : i32 to index
      %get3A_71 = arith.constant 16 : index
      %get3A_72 = tpu.vector_load %arg7[%get3A_70, %get3A_71] {strides = array<i32>} : memref<40x128xi32, #tpu.memory_space<vmem>>, vector<1x16xi32>,
      %get3A_73 = vector.shape_cast %get3A_72 : vector<1x16xi32> to vector<16xi32>
      %add3A_74 = arith.addi %mul3A_69, %get3A_73 : vector<16xi32>
      %swap3A_75 = arith.index_cast %scan3A_47 : i32 to index
      %swap3A_76 = arith.constant 16 : index
      %swap3A_77 = tpu.vector_load %arg10[%swap3A_75, %swap3A_76] {strides = array<i32>} : memref<40x128xi32, #tpu.memory_space<vmem>>, vector<1x16xi32>,
      %swap3A_78 = vector.shape_cast %swap3A_77 : vector<1x16xi32> to vector<16xi32>
      %swap3A_79 = vector.shape_cast %add3A_74 : vector<16xi32> to vector<1x16xi32>
      tpu.vector_store %arg10[%swap3A_75, %swap3A_76], %swap3A_79 {strides = array<i32>} : memref<40x128xi32, #tpu.memory_space<vmem>>, vector<1x16xi32>,
      %get3A_80 = arith.index_cast %scan3A_47 : i32 to index
      %get3A_81 = arith.constant 32 : index
      %get3A_82 = tpu.vector_load %arg8[%get3A_80, %get3A_81] {strides = array<i32>} : memref<40x128xi32, #tpu.memory_space<vmem>>, vector<1x16xi32>,
      %get3A_83 = vector.shape_cast %get3A_82 : vector<1x16xi32> to vector<16xi32>
      %mul3A_84 = arith.constant 10000 : i32
      %mul3A_85 = vector.broadcast %mul3A_84 : i32 to vector<16xi32>
      %mul3A_86 = arith.muli %get3A_83, %mul3A_85 : vector<16xi32>
      %get3A_87 = arith.index_cast %scan3A_47 : i32 to index
      %get3A_88 = arith.constant 32 : index
      %get3A_89 = tpu.vector_load %arg7[%get3A_87, %get3A_88] {strides = array<i32>} : memref<40x128xi32, #tpu.memory_space<vmem>>, vector<1x16xi32>,
      %get3A_90 = vector.shape_cast %get3A_89 : vector<1x16xi32> to vector<16xi32>
      %add3A_91 = arith.addi %mul3A_86, %get3A_90 : vector<16xi32>
      %swap3A_92 = arith.index_cast %scan3A_47 : i32 to index
      %swap3A_93 = arith.constant 32 : index
      %swap3A_94 = tpu.vector_load %arg10[%swap3A_92, %swap3A_93] {strides = array<i32>} : memref<40x128xi32, #tpu.memory_space<vmem>>, vector<1x16xi32>,
      %swap3A_95 = vector.shape_cast %swap3A_94 : vector<1x16xi32> to vector<16xi32>
      %swap3A_96 = vector.shape_cast %add3A_91 : vector<16xi32> to vector<1x16xi32>
      tpu.vector_store %arg10[%swap3A_92, %swap3A_93], %swap3A_96 {strides = array<i32>} : memref<40x128xi32, #tpu.memory_space<vmem>>, vector<1x16xi32>,
      %get3A_97 = arith.index_cast %scan3A_47 : i32 to index
      %get3A_98 = arith.constant 48 : index
      %get3A_99 = tpu.vector_load %arg8[%get3A_97, %get3A_98] {strides = array<i32>} : memref<40x128xi32, #tpu.memory_space<vmem>>, vector<1x16xi32>,
      %get3A_100 = vector.shape_cast %get3A_99 : vector<1x16xi32> to vector<16xi32>
      %mul3A_101 = arith.constant 10000 : i32
      %mul3A_102 = vector.broadcast %mul3A_101 : i32 to vector<16xi32>
      %mul3A_103 = arith.muli %get3A_100, %mul3A_102 : vector<16xi32>
      %get3A_104 = arith.index_cast %scan3A_47 : i32 to index
      %get3A_105 = arith.constant 48 : index
      %get3A_106 = tpu.vector_load %arg7[%get3A_104, %get3A_105] {strides = array<i32>} : memref<40x128xi32, #tpu.memory_space<vmem>>, vector<1x16xi32>,
      %get3A_107 = vector.shape_cast %get3A_106 : vector<1x16xi32> to vector<16xi32>
      %add3A_108 = arith.addi %mul3A_103, %get3A_107 : vector<16xi32>
      %swap3A_109 = arith.index_cast %scan3A_47 : i32 to index
      %swap3A_110 = arith.constant 48 : index
      %swap3A_111 = tpu.vector_load %arg10[%swap3A_109, %swap3A_110] {strides = array<i32>} : memref<40x128xi32, #tpu.memory_space<vmem>>, vector<1x16xi32>,
      %swap3A_112 = vector.shape_cast %swap3A_111 : vector<1x16xi32> to vector<16xi32>
      %swap3A_113 = vector.shape_cast %add3A_108 : vector<16xi32> to vector<1x16xi32>
      tpu.vector_store %arg10[%swap3A_109, %swap3A_110], %swap3A_113 {strides = array<i32>} : memref<40x128xi32, #tpu.memory_space<vmem>>, vector<1x16xi32>,
      %get3A_114 = arith.index_cast %scan3A_47 : i32 to index
      %get3A_115 = arith.constant 64 : index
      %get3A_116 = tpu.vector_load %arg8[%get3A_114, %get3A_115] {strides = array<i32>} : memref<40x128xi32, #tpu.memory_space<vmem>>, vector<1x16xi32>,
      %get3A_117 = vector.shape_cast %get3A_116 : vector<1x16xi32> to vector<16xi32>
      %mul3A_118 = arith.constant 10000 : i32
      %mul3A_119 = vector.broadcast %mul3A_118 : i32 to vector<16xi32>
      %mul3A_120 = arith.muli %get3A_117, %mul3A_119 : vector<16xi32>
      %get3A_121 = arith.index_cast %scan3A_47 : i32 to index
      %get3A_122 = arith.constant 64 : index
      %get3A_123 = tpu.vector_load %arg7[%get3A_121, %get3A_122] {strides = array<i32>} : memref<40x128xi32, #tpu.memory_space<vmem>>, vector<1x16xi32>,
      %get3A_124 = vector.shape_cast %get3A_123 : vector<1x16xi32> to vector<16xi32>
      %add3A_125 = arith.addi %mul3A_120, %get3A_124 : vector<16xi32>
      %swap3A_126 = arith.index_cast %scan3A_47 : i32 to index
      %swap3A_127 = arith.constant 64 : index
      %swap3A_128 = tpu.vector_load %arg10[%swap3A_126, %swap3A_127] {strides = array<i32>} : memref<40x128xi32, #tpu.memory_space<vmem>>, vector<1x16xi32>,
      %swap3A_129 = vector.shape_cast %swap3A_128 : vector<1x16xi32> to vector<16xi32>
      %swap3A_130 = vector.shape_cast %add3A_125 : vector<16xi32> to vector<1x16xi32>
      tpu.vector_store %arg10[%swap3A_126, %swap3A_127], %swap3A_130 {strides = array<i32>} : memref<40x128xi32, #tpu.memory_space<vmem>>, vector<1x16xi32>,
      %get3A_131 = arith.index_cast %scan3A_47 : i32 to index
      %get3A_132 = arith.constant 80 : index
      %get3A_133 = tpu.vector_load %arg8[%get3A_131, %get3A_132] {strides = array<i32>} : memref<40x128xi32, #tpu.memory_space<vmem>>, vector<1x16xi32>,
      %get3A_134 = vector.shape_cast %get3A_133 : vector<1x16xi32> to vector<16xi32>
      %mul3A_135 = arith.constant 10000 : i32
      %mul3A_136 = vector.broadcast %mul3A_135 : i32 to vector<16xi32>
      %mul3A_137 = arith.muli %get3A_134, %mul3A_136 : vector<16xi32>
      %get3A_138 = arith.index_cast %scan3A_47 : i32 to index
      %get3A_139 = arith.constant 80 : index
      %get3A_140 = tpu.vector_load %arg7[%get3A_138, %get3A_139] {strides = array<i32>} : memref<40x128xi32, #tpu.memory_space<vmem>>, vector<1x16xi32>,
      %get3A_141 = vector.shape_cast %get3A_140 : vector<1x16xi32> to vector<16xi32>
      %add3A_142 = arith.addi %mul3A_137, %get3A_141 : vector<16xi32>
      %swap3A_143 = arith.index_cast %scan3A_47 : i32 to index
      %swap3A_144 = arith.constant 80 : index
      %swap3A_145 = tpu.vector_load %arg10[%swap3A_143, %swap3A_144] {strides = array<i32>} : memref<40x128xi32, #tpu.memory_space<vmem>>, vector<1x16xi32>,
      %swap3A_146 = vector.shape_cast %swap3A_145 : vector<1x16xi32> to vector<16xi32>
      %swap3A_147 = vector.shape_cast %add3A_142 : vector<16xi32> to vector<1x16xi32>
      tpu.vector_store %arg10[%swap3A_143, %swap3A_144], %swap3A_147 {strides = array<i32>} : memref<40x128xi32, #tpu.memory_space<vmem>>, vector<1x16xi32>,
      %get3A_148 = arith.index_cast %scan3A_47 : i32 to index
      %get3A_149 = arith.constant 96 : index
      %get3A_150 = tpu.vector_load %arg8[%get3A_148, %get3A_149] {strides = array<i32>} : memref<40x128xi32, #tpu.memory_space<vmem>>, vector<1x16xi32>,
      %get3A_151 = vector.shape_cast %get3A_150 : vector<1x16xi32> to vector<16xi32>
      %mul3A_152 = arith.constant 10000 : i32
      %mul3A_153 = vector.broadcast %mul3A_152 : i32 to vector<16xi32>
      %mul3A_154 = arith.muli %get3A_151, %mul3A_153 : vector<16xi32>
      %get3A_155 = arith.index_cast %scan3A_47 : i32 to index
      %get3A_156 = arith.constant 96 : index
      %get3A_157 = tpu.vector_load %arg7[%get3A_155, %get3A_156] {strides = array<i32>} : memref<40x128xi32, #tpu.memory_space<vmem>>, vector<1x16xi32>,
      %get3A_158 = vector.shape_cast %get3A_157 : vector<1x16xi32> to vector<16xi32>
      %add3A_159 = arith.addi %mul3A_154, %get3A_158 : vector<16xi32>
      %swap3A_160 = arith.index_cast %scan3A_47 : i32 to index
      %swap3A_161 = arith.constant 96 : index
      %swap3A_162 = tpu.vector_load %arg10[%swap3A_160, %swap3A_161] {strides = array<i32>} : memref<40x128xi32, #tpu.memory_space<vmem>>, vector<1x16xi32>,
      %swap3A_163 = vector.shape_cast %swap3A_162 : vector<1x16xi32> to vector<16xi32>
      %swap3A_164 = vector.shape_cast %add3A_159 : vector<16xi32> to vector<1x16xi32>
      tpu.vector_store %arg10[%swap3A_160, %swap3A_161], %swap3A_164 {strides = array<i32>} : memref<40x128xi32, #tpu.memory_space<vmem>>, vector<1x16xi32>,
      %get3A_165 = arith.index_cast %scan3A_47 : i32 to index
      %get3A_166 = arith.constant 112 : index
      %get3A_167 = tpu.vector_load %arg8[%get3A_165, %get3A_166] {strides = array<i32>} : memref<40x128xi32, #tpu.memory_space<vmem>>, vector<1x16xi32>,
      %get3A_168 = vector.shape_cast %get3A_167 : vector<1x16xi32> to vector<16xi32>
      %mul3A_169 = arith.constant 10000 : i32
      %mul3A_170 = vector.broadcast %mul3A_169 : i32 to vector<16xi32>
      %mul3A_171 = arith.muli %get3A_168, %mul3A_170 : vector<16xi32>
      %get3A_172 = arith.index_cast %scan3A_47 : i32 to index
      %get3A_173 = arith.constant 112 : index
      %get3A_174 = tpu.vector_load %arg7[%get3A_172, %get3A_173] {strides = array<i32>} : memref<40x128xi32, #tpu.memory_space<vmem>>, vector<1x16xi32>,
      %get3A_175 = vector.shape_cast %get3A_174 : vector<1x16xi32> to vector<16xi32>
      %add3A_176 = arith.addi %mul3A_171, %get3A_175 : vector<16xi32>
      %swap3A_177 = arith.index_cast %scan3A_47 : i32 to index
      %swap3A_178 = arith.constant 112 : index
      %swap3A_179 = tpu.vector_load %arg10[%swap3A_177, %swap3A_178] {strides = array<i32>} : memref<40x128xi32, #tpu.memory_space<vmem>>, vector<1x16xi32>,
      %swap3A_180 = vector.shape_cast %swap3A_179 : vector<1x16xi32> to vector<16xi32>
      %swap3A_181 = vector.shape_cast %add3A_176 : vector<16xi32> to vector<1x16xi32>
      tpu.vector_store %arg10[%swap3A_177, %swap3A_178], %swap3A_181 {strides = array<i32>} : memref<40x128xi32, #tpu.memory_space<vmem>>, vector<1x16xi32>,
    }
    %scan3A_33 = arith.constant 40 : i32
    %scan3A_34 = arith.constant 0 : i32
    %scan3A_35 = arith.constant 0 : i32
    %scan3A_36 = arith.constant 40 : i32
    %scan3A_37 = arith.addi %scan3A_35, %scan3A_36 : i32
    %scan3A_38 = arith.constant 1 : i32
    scf.for %scan3A_47 = %scan3A_35 to %scan3A_37 step %scan3A_38  : i32 {
      %dma_start3A = arith.constant 0 : i32
      %dma_start3A_48 = tpu.memref_slice %arg10[%scan3A_47, %dma_start3A] : memref<40x128xi32, #tpu.memory_space<vmem>> -> memref<1x128xi32, #tpu.memory_space<vmem>>
      %dma_start3A_49 = tpu.memref_squeeze %dma_start3A_48 : memref<1x128xi32, #tpu.memory_space<vmem>> -> memref<128xi32, #tpu.memory_space<vmem>>
      %dma_start3A_50 = arith.constant 0 : i32
      %dma_start3A_51 = arith.constant 0 : i32
      %dma_start3A_52 = tpu.memref_slice %arg2[%dma_start3A_50, %dma_start3A_51] : memref<270000x128xf32, #tpu.memory_space<hbm>> -> memref<270000x128xf32, #tpu.memory_space<hbm>>
      tpu.enqueue_indirect_dma source(%dma_start3A_52 : memref<270000x128xf32, #tpu.memory_space<hbm>>) target(%arg11 : memref<128x128xf32, #tpu.memory_space<vmem>>) offsets(%dma_start3A_49 : memref<128xi32, #tpu.memory_space<vmem>>) semaphore(%arg13 : memref<!tpu.dma_semaphore, #tpu.memory_space<semaphore_mem>>)
      %dma_wait3A = arith.constant 0 : i32
      %dma_wait3A_53 = tpu.memref_slice %arg10[%scan3A_47, %dma_wait3A] : memref<40x128xi32, #tpu.memory_space<vmem>> -> memref<1x128xi32, #tpu.memory_space<vmem>>
      %dma_wait3A_54 = tpu.memref_squeeze %dma_wait3A_53 : memref<1x128xi32, #tpu.memory_space<vmem>> -> memref<128xi32, #tpu.memory_space<vmem>>
      %dma_wait3A_55 = arith.constant 0 : i32
      %dma_wait3A_56 = arith.constant 0 : i32
      %dma_wait3A_57 = tpu.memref_slice %arg2[%dma_wait3A_55, %dma_wait3A_56] : memref<270000x128xf32, #tpu.memory_space<hbm>> -> memref<270000x128xf32, #tpu.memory_space<hbm>>
      tpu.wait_indirect_dma semaphore(%arg13 : memref<!tpu.dma_semaphore, #tpu.memory_space<semaphore_mem>>) src(%dma_wait3A_57 : memref<270000x128xf32, #tpu.memory_space<hbm>>) dst(%arg11 : memref<128x128xf32, #tpu.memory_space<vmem>>)
      "tpu.region"() ({
        %run_scoped3A = tpu.sem_alloc : memref<!tpu.dma_semaphore, #tpu.memory_space<semaphore_mem>>
        %dma_start3A_58 = arith.constant 0 : i32
        %dma_start3A_59 = tpu.memref_slice %arg9[%scan3A_47, %dma_start3A_58] : memref<40x128xi32, #tpu.memory_space<vmem>> -> memref<1x128xi32, #tpu.memory_space<vmem>>
        %dma_start3A_60 = tpu.memref_squeeze %dma_start3A_59 : memref<1x128xi32, #tpu.memory_space<vmem>> -> memref<128xi32, #tpu.memory_space<vmem>>
        %dma_start3A_61 = arith.constant 0 : i32
        %dma_start3A_62 = arith.constant 0 : i32
        %dma_start3A_63 = tpu.memref_slice %arg12[%dma_start3A_61, %dma_start3A_62] : memref<10240x128xf32, #tpu.memory_space<vmem_shared>> -> memref<10240x128xf32, #tpu.memory_space<vmem_shared>>
        tpu.enqueue_indirect_dma source(%arg11 : memref<128x128xf32, #tpu.memory_space<vmem>>) target(%dma_start3A_63 : memref<10240x128xf32, #tpu.memory_space<vmem_shared>>) offsets(%dma_start3A_60 : memref<128xi32, #tpu.memory_space<vmem>>) semaphore(%run_scoped3A : memref<!tpu.dma_semaphore, #tpu.memory_space<semaphore_mem>>) {add = true}
        %dma_wait3A_64 = arith.constant 0 : i32
        %dma_wait3A_65 = tpu.memref_slice %arg9[%scan3A_47, %dma_wait3A_64] : memref<40x128xi32, #tpu.memory_space<vmem>> -> memref<1x128xi32, #tpu.memory_space<vmem>>
        %dma_wait3A_66 = tpu.memref_squeeze %dma_wait3A_65 : memref<1x128xi32, #tpu.memory_space<vmem>> -> memref<128xi32, #tpu.memory_space<vmem>>
        %dma_wait3A_67 = arith.constant 0 : i32
        %dma_wait3A_68 = arith.constant 0 : i32
        %dma_wait3A_69 = tpu.memref_slice %arg12[%dma_wait3A_67, %dma_wait3A_68] : memref<10240x128xf32, #tpu.memory_space<vmem_shared>> -> memref<10240x128xf32, #tpu.memory_space<vmem_shared>>
        tpu.wait_indirect_dma semaphore(%run_scoped3A : memref<!tpu.dma_semaphore, #tpu.memory_space<semaphore_mem>>) src(%arg11 : memref<128x128xf32, #tpu.memory_space<vmem>>) dst(%dma_wait3A_69 : memref<10240x128xf32, #tpu.memory_space<vmem_shared>>)
        tpu.yield
      }) : () -> ()
    }
    %scan3A_39 = arith.constant 40 : i32
    %barrier3A_40 = arith.constant 0 : index
    tpu.barrier barrier_id(%barrier3A_40)
    %lt3A = arith.constant 15 : i32
    %lt3A_41 = arith.cmpi slt, %arg1, %lt3A : i32
    %convert_element_type3A = arith.extui %lt3A_41 : i1 to i32
    %cond3A = arith.constant 0 : i32
    %cond3A_42 = arith.cmpi ne, %convert_element_type3A, %cond3A : i32
    scf.if %cond3A_42 {
      %mul3A_47 = arith.constant 632 : i32
      %mul3A_48 = arith.muli %arg1, %mul3A_47 : i32
      %mul3A_49 = arith.constant 632 : i32
      %mul3A_50 = arith.muli %arg1, %mul3A_49 : i32
      "tpu.region"() ({
        %run_scoped3A = tpu.sem_alloc : memref<!tpu.dma_semaphore, #tpu.memory_space<semaphore_mem>>
        %dma_start3A = arith.constant 0 : i32
        %dma_start3A_51 = tpu.memref_slice %arg6[%arg0, %mul3A_50, %dma_start3A] : memref<2x10000x128xf32, #tpu.memory_space<hbm>> -> memref<1x632x128xf32, #tpu.memory_space<hbm>>
        %dma_start3A_52 = tpu.memref_squeeze %dma_start3A_51 : memref<1x632x128xf32, #tpu.memory_space<hbm>> -> memref<632x128xf32, #tpu.memory_space<hbm>>
        %dma_start3A_53 = arith.constant 0 : i32
        %dma_start3A_54 = tpu.memref_slice %arg12[%mul3A_48, %dma_start3A_53] : memref<10240x128xf32, #tpu.memory_space<vmem_shared>> -> memref<632x128xf32, #tpu.memory_space<vmem_shared>>
        tpu.enqueue_dma source(%dma_start3A_54 : memref<632x128xf32, #tpu.memory_space<vmem_shared>>) target(%dma_start3A_52 : memref<632x128xf32, #tpu.memory_space<hbm>>) target_semaphore(%run_scoped3A : memref<!tpu.dma_semaphore, #tpu.memory_space<semaphore_mem>>)
        %dma_wait3A = arith.constant 0 : i32
        %dma_wait3A_55 = tpu.memref_slice %arg6[%arg0, %mul3A_50, %dma_wait3A] : memref<2x10000x128xf32, #tpu.memory_space<hbm>> -> memref<1x632x128xf32, #tpu.memory_space<hbm>>
        %dma_wait3A_56 = tpu.memref_squeeze %dma_wait3A_55 : memref<1x632x128xf32, #tpu.memory_space<hbm>> -> memref<632x128xf32, #tpu.memory_space<hbm>>
        %dma_wait3A_57 = arith.constant 0 : i32
        %dma_wait3A_58 = tpu.memref_slice %arg12[%mul3A_48, %dma_wait3A_57] : memref<10240x128xf32, #tpu.memory_space<vmem_shared>> -> memref<632x128xf32, #tpu.memory_space<vmem_shared>>
        tpu.wait_dma2 semaphore(%run_scoped3A : memref<!tpu.dma_semaphore, #tpu.memory_space<semaphore_mem>>) src(%dma_wait3A_58 : memref<632x128xf32, #tpu.memory_space<vmem_shared>>) dst(%dma_wait3A_56 : memref<632x128xf32, #tpu.memory_space<hbm>>)
        tpu.yield
      }) : () -> ()
    } else {
    }
    %eq3A = arith.constant 15 : i32
    %eq3A_43 = arith.cmpi eq, %arg1, %eq3A : i32
    %convert_element_type3A_44 = arith.extui %eq3A_43 : i1 to i32
    %cond3A_45 = arith.constant 0 : i32
    %cond3A_46 = arith.cmpi ne, %convert_element_type3A_44, %cond3A_45 : i32
    scf.if %cond3A_46 {
      "tpu.region"() ({
        %run_scoped3A = tpu.sem_alloc : memref<!tpu.dma_semaphore, #tpu.memory_space<semaphore_mem>>
        %dma_start3A = arith.constant 9480 : i32
        %dma_start3A_47 = arith.constant 0 : i32
        %dma_start3A_48 = tpu.memref_slice %arg6[%arg0, %dma_start3A, %dma_start3A_47] : memref<2x10000x128xf32, #tpu.memory_space<hbm>> -> memref<1x520x128xf32, #tpu.memory_space<hbm>>
        %dma_start3A_49 = tpu.memref_squeeze %dma_start3A_48 : memref<1x520x128xf32, #tpu.memory_space<hbm>> -> memref<520x128xf32, #tpu.memory_space<hbm>>
        %dma_start3A_50 = arith.constant 9480 : i32
        %dma_start3A_51 = arith.constant 0 : i32
        %dma_start3A_52 = tpu.memref_slice %arg12[%dma_start3A_50, %dma_start3A_51] : memref<10240x128xf32, #tpu.memory_space<vmem_shared>> -> memref<520x128xf32, #tpu.memory_space<vmem_shared>>
        tpu.enqueue_dma source(%dma_start3A_52 : memref<520x128xf32, #tpu.memory_space<vmem_shared>>) target(%dma_start3A_49 : memref<520x128xf32, #tpu.memory_space<hbm>>) target_semaphore(%run_scoped3A : memref<!tpu.dma_semaphore, #tpu.memory_space<semaphore_mem>>)
        %dma_wait3A = arith.constant 9480 : i32
        %dma_wait3A_53 = arith.constant 0 : i32
        %dma_wait3A_54 = tpu.memref_slice %arg6[%arg0, %dma_wait3A, %dma_wait3A_53] : memref<2x10000x128xf32, #tpu.memory_space<hbm>> -> memref<1x520x128xf32, #tpu.memory_space<hbm>>
        %dma_wait3A_55 = tpu.memref_squeeze %dma_wait3A_54 : memref<1x520x128xf32, #tpu.memory_space<hbm>> -> memref<520x128xf32, #tpu.memory_space<hbm>>
        %dma_wait3A_56 = arith.constant 9480 : i32
        %dma_wait3A_57 = arith.constant 0 : i32
        %dma_wait3A_58 = tpu.memref_slice %arg12[%dma_wait3A_56, %dma_wait3A_57] : memref<10240x128xf32, #tpu.memory_space<vmem_shared>> -> memref<520x128xf32, #tpu.memory_space<vmem_shared>>
        tpu.wait_dma2 semaphore(%run_scoped3A : memref<!tpu.dma_semaphore, #tpu.memory_space<semaphore_mem>>) src(%dma_wait3A_58 : memref<520x128xf32, #tpu.memory_space<vmem_shared>>) dst(%dma_wait3A_55 : memref<520x128xf32, #tpu.memory_space<hbm>>)
        tpu.yield
      }) : () -> ()
    } else {
    }
    return
  }
}

#map = affine_map<(d0, d1) -> (0, 0)>
#map1 = affine_map<(d0, d1) -> (0, 0, 0)>
module attributes {stable_mosaic.version = 14 : i64} {
  func.func @_edge_accum(%arg0: i32, %arg1: i32, %arg2: memref<270000x128xf32, #tpu.memory_space<hbm>>, %arg3: memref<1280x128xi32, #tpu.memory_space<hbm>>, %arg4: memref<1280x128xi32, #tpu.memory_space<hbm>>, %arg5: memref<1280x128xi32, #tpu.memory_space<hbm>>, %arg6: memref<2x10000x128xf32, #tpu.memory_space<hbm>>, %arg7: memref<40x128xi32, #tpu.memory_space<vmem>>, %arg8: memref<40x128xi32, #tpu.memory_space<vmem>>, %arg9: memref<40x128xi32, #tpu.memory_space<vmem>>, %arg10: memref<40x128xi32, #tpu.memory_space<vmem>>, %arg11: memref<128x128xf32, #tpu.memory_space<vmem>>, %arg12: memref<10240x128xf32, #tpu.memory_space<vmem_shared>>, %arg13: memref<!tpu.dma_semaphore, #tpu.memory_space<semaphore_mem>>) attributes {dimension_semantics = [#tpu.dimension_semantics<core_parallel>, #tpu.dimension_semantics<subcore_parallel>], iteration_bounds = array<i64: 2, 16>, scalar_prefetch = 0 : i64, scratch_operands = 7 : i64, tpu.core_type = #tpu.core_type<sc_vector_subcore>, window_params = [{transform_indices = #map}, {transform_indices = #map}, {transform_indices = #map}, {transform_indices = #map}, {transform_indices = #map1}]} {
    %mul3A = arith.constant 16 : i32
    %mul3A_0 = arith.muli %arg0, %mul3A : i32
    %add3A = arith.addi %mul3A_0, %arg1 : i32
    %scan3A = arith.constant 0 : i32
    %scan3A_1 = arith.constant 0 : i32
    %scan3A_2 = arith.constant 128 : i32
    %scan3A_3 = arith.addi %scan3A_1, %scan3A_2 : i32
    %scan3A_4 = arith.constant 1 : i32
    scf.for %scan3A_47 = %scan3A_1 to %scan3A_3 step %scan3A_4  : i32 {
      %broadcast_in_dim3A = arith.constant 0.000000e+00 : f32
      %broadcast_in_dim3A_48 = vector.broadcast %broadcast_in_dim3A : f32 to vector<16xf32>
      %swap3A = arith.index_cast %scan3A_47 : i32 to index
      %swap3A_49 = arith.constant 0 : index
      %swap3A_50 = tpu.vector_load %arg11[%swap3A, %swap3A_49] {strides = array<i32>} : memref<128x128xf32, #tpu.memory_space<vmem>>, vector<1x16xf32>,
      %swap3A_51 = vector.shape_cast %swap3A_50 : vector<1x16xf32> to vector<16xf32>
      %swap3A_52 = vector.shape_cast %broadcast_in_dim3A_48 : vector<16xf32> to vector<1x16xf32>
      tpu.vector_store %arg11[%swap3A, %swap3A_49], %swap3A_52 {strides = array<i32>} : memref<128x128xf32, #tpu.memory_space<vmem>>, vector<1x16xf32>,
      %broadcast_in_dim3A_53 = arith.constant 0.000000e+00 : f32
      %broadcast_in_dim3A_54 = vector.broadcast %broadcast_in_dim3A_53 : f32 to vector<16xf32>
      %swap3A_55 = arith.index_cast %scan3A_47 : i32 to index
      %swap3A_56 = arith.constant 16 : index
      %swap3A_57 = tpu.vector_load %arg11[%swap3A_55, %swap3A_56] {strides = array<i32>} : memref<128x128xf32, #tpu.memory_space<vmem>>, vector<1x16xf32>,
      %swap3A_58 = vector.shape_cast %swap3A_57 : vector<1x16xf32> to vector<16xf32>
      %swap3A_59 = vector.shape_cast %broadcast_in_dim3A_54 : vector<16xf32> to vector<1x16xf32>
      tpu.vector_store %arg11[%swap3A_55, %swap3A_56], %swap3A_59 {strides = array<i32>} : memref<128x128xf32, #tpu.memory_space<vmem>>, vector<1x16xf32>,
      %broadcast_in_dim3A_60 = arith.constant 0.000000e+00 : f32
      %broadcast_in_dim3A_61 = vector.broadcast %broadcast_in_dim3A_60 : f32 to vector<16xf32>
      %swap3A_62 = arith.index_cast %scan3A_47 : i32 to index
      %swap3A_63 = arith.constant 32 : index
      %swap3A_64 = tpu.vector_load %arg11[%swap3A_62, %swap3A_63] {strides = array<i32>} : memref<128x128xf32, #tpu.memory_space<vmem>>, vector<1x16xf32>,
      %swap3A_65 = vector.shape_cast %swap3A_64 : vector<1x16xf32> to vector<16xf32>
      %swap3A_66 = vector.shape_cast %broadcast_in_dim3A_61 : vector<16xf32> to vector<1x16xf32>
      tpu.vector_store %arg11[%swap3A_62, %swap3A_63], %swap3A_66 {strides = array<i32>} : memref<128x128xf32, #tpu.memory_space<vmem>>, vector<1x16xf32>,
      %broadcast_in_dim3A_67 = arith.constant 0.000000e+00 : f32
      %broadcast_in_dim3A_68 = vector.broadcast %broadcast_in_dim3A_67 : f32 to vector<16xf32>
      %swap3A_69 = arith.index_cast %scan3A_47 : i32 to index
      %swap3A_70 = arith.constant 48 : index
      %swap3A_71 = tpu.vector_load %arg11[%swap3A_69, %swap3A_70] {strides = array<i32>} : memref<128x128xf32, #tpu.memory_space<vmem>>, vector<1x16xf32>,
      %swap3A_72 = vector.shape_cast %swap3A_71 : vector<1x16xf32> to vector<16xf32>
      %swap3A_73 = vector.shape_cast %broadcast_in_dim3A_68 : vector<16xf32> to vector<1x16xf32>
      tpu.vector_store %arg11[%swap3A_69, %swap3A_70], %swap3A_73 {strides = array<i32>} : memref<128x128xf32, #tpu.memory_space<vmem>>, vector<1x16xf32>,
      %broadcast_in_dim3A_74 = arith.constant 0.000000e+00 : f32
      %broadcast_in_dim3A_75 = vector.broadcast %broadcast_in_dim3A_74 : f32 to vector<16xf32>
      %swap3A_76 = arith.index_cast %scan3A_47 : i32 to index
      %swap3A_77 = arith.constant 64 : index
      %swap3A_78 = tpu.vector_load %arg11[%swap3A_76, %swap3A_77] {strides = array<i32>} : memref<128x128xf32, #tpu.memory_space<vmem>>, vector<1x16xf32>,
      %swap3A_79 = vector.shape_cast %swap3A_78 : vector<1x16xf32> to vector<16xf32>
      %swap3A_80 = vector.shape_cast %broadcast_in_dim3A_75 : vector<16xf32> to vector<1x16xf32>
      tpu.vector_store %arg11[%swap3A_76, %swap3A_77], %swap3A_80 {strides = array<i32>} : memref<128x128xf32, #tpu.memory_space<vmem>>, vector<1x16xf32>,
      %broadcast_in_dim3A_81 = arith.constant 0.000000e+00 : f32
      %broadcast_in_dim3A_82 = vector.broadcast %broadcast_in_dim3A_81 : f32 to vector<16xf32>
      %swap3A_83 = arith.index_cast %scan3A_47 : i32 to index
      %swap3A_84 = arith.constant 80 : index
      %swap3A_85 = tpu.vector_load %arg11[%swap3A_83, %swap3A_84] {strides = array<i32>} : memref<128x128xf32, #tpu.memory_space<vmem>>, vector<1x16xf32>,
      %swap3A_86 = vector.shape_cast %swap3A_85 : vector<1x16xf32> to vector<16xf32>
      %swap3A_87 = vector.shape_cast %broadcast_in_dim3A_82 : vector<16xf32> to vector<1x16xf32>
      tpu.vector_store %arg11[%swap3A_83, %swap3A_84], %swap3A_87 {strides = array<i32>} : memref<128x128xf32, #tpu.memory_space<vmem>>, vector<1x16xf32>,
      %broadcast_in_dim3A_88 = arith.constant 0.000000e+00 : f32
      %broadcast_in_dim3A_89 = vector.broadcast %broadcast_in_dim3A_88 : f32 to vector<16xf32>
      %swap3A_90 = arith.index_cast %scan3A_47 : i32 to index
      %swap3A_91 = arith.constant 96 : index
      %swap3A_92 = tpu.vector_load %arg11[%swap3A_90, %swap3A_91] {strides = array<i32>} : memref<128x128xf32, #tpu.memory_space<vmem>>, vector<1x16xf32>,
      %swap3A_93 = vector.shape_cast %swap3A_92 : vector<1x16xf32> to vector<16xf32>
      %swap3A_94 = vector.shape_cast %broadcast_in_dim3A_89 : vector<16xf32> to vector<1x16xf32>
      tpu.vector_store %arg11[%swap3A_90, %swap3A_91], %swap3A_94 {strides = array<i32>} : memref<128x128xf32, #tpu.memory_space<vmem>>, vector<1x16xf32>,
      %broadcast_in_dim3A_95 = arith.constant 0.000000e+00 : f32
      %broadcast_in_dim3A_96 = vector.broadcast %broadcast_in_dim3A_95 : f32 to vector<16xf32>
      %swap3A_97 = arith.index_cast %scan3A_47 : i32 to index
      %swap3A_98 = arith.constant 112 : index
      %swap3A_99 = tpu.vector_load %arg11[%swap3A_97, %swap3A_98] {strides = array<i32>} : memref<128x128xf32, #tpu.memory_space<vmem>>, vector<1x16xf32>,
      %swap3A_100 = vector.shape_cast %swap3A_99 : vector<1x16xf32> to vector<16xf32>
      %swap3A_101 = vector.shape_cast %broadcast_in_dim3A_96 : vector<16xf32> to vector<1x16xf32>
      tpu.vector_store %arg11[%swap3A_97, %swap3A_98], %swap3A_101 {strides = array<i32>} : memref<128x128xf32, #tpu.memory_space<vmem>>, vector<1x16xf32>,
    }
    %scan3A_5 = arith.constant 128 : i32
    %mul3A_6 = arith.constant 640 : i32
    %mul3A_7 = arith.muli %arg1, %mul3A_6 : i32
    %add3A_8 = arith.constant 0 : i32
    %add3A_9 = arith.addi %mul3A_7, %add3A_8 : i32
    "tpu.region"() ({
      %run_scoped3A = tpu.sem_alloc : memref<!tpu.dma_semaphore, #tpu.memory_space<semaphore_mem>>
      %dma_start3A = arith.constant 0 : i32
      %dma_start3A_47 = tpu.memref_slice %arg12[%add3A_9, %dma_start3A] : memref<10240x128xf32, #tpu.memory_space<vmem_shared>> -> memref<128x128xf32, #tpu.memory_space<vmem_shared>>
      %dma_start3A_48 = arith.constant 0 : i32
      %dma_start3A_49 = tpu.memref_slice %arg12[%add3A_9, %dma_start3A_48] : memref<10240x128xf32, #tpu.memory_space<vmem_shared>> -> memref<128x128xf32, #tpu.memory_space<vmem_shared>>
      tpu.enqueue_dma source(%arg11 : memref<128x128xf32, #tpu.memory_space<vmem>>) target(%dma_start3A_49 : memref<128x128xf32, #tpu.memory_space<vmem_shared>>) target_semaphore(%run_scoped3A : memref<!tpu.dma_semaphore, #tpu.memory_space<semaphore_mem>>)
      %dma_wait3A = arith.constant 0 : i32
      %dma_wait3A_50 = tpu.memref_slice %arg12[%add3A_9, %dma_wait3A] : memref<10240x128xf32, #tpu.memory_space<vmem_shared>> -> memref<128x128xf32, #tpu.memory_space<vmem_shared>>
      %dma_wait3A_51 = arith.constant 0 : i32
      %dma_wait3A_52 = tpu.memref_slice %arg12[%add3A_9, %dma_wait3A_51] : memref<10240x128xf32, #tpu.memory_space<vmem_shared>> -> memref<128x128xf32, #tpu.memory_space<vmem_shared>>
      tpu.wait_dma2 semaphore(%run_scoped3A : memref<!tpu.dma_semaphore, #tpu.memory_space<semaphore_mem>>) src(%arg11 : memref<128x128xf32, #tpu.memory_space<vmem>>) dst(%dma_wait3A_52 : memref<128x128xf32, #tpu.memory_space<vmem_shared>>)
      tpu.yield
    }) : () -> ()
    %mul3A_10 = arith.constant 640 : i32
    %mul3A_11 = arith.muli %arg1, %mul3A_10 : i32
    %add3A_12 = arith.constant 128 : i32
    %add3A_13 = arith.addi %mul3A_11, %add3A_12 : i32
    "tpu.region"() ({
      %run_scoped3A = tpu.sem_alloc : memref<!tpu.dma_semaphore, #tpu.memory_space<semaphore_mem>>
      %dma_start3A = arith.constant 0 : i32
      %dma_start3A_47 = tpu.memref_slice %arg12[%add3A_13, %dma_start3A] : memref<10240x128xf32, #tpu.memory_space<vmem_shared>> -> memref<128x128xf32, #tpu.memory_space<vmem_shared>>
      %dma_start3A_48 = arith.constant 0 : i32
      %dma_start3A_49 = tpu.memref_slice %arg12[%add3A_13, %dma_start3A_48] : memref<10240x128xf32, #tpu.memory_space<vmem_shared>> -> memref<128x128xf32, #tpu.memory_space<vmem_shared>>
      tpu.enqueue_dma source(%arg11 : memref<128x128xf32, #tpu.memory_space<vmem>>) target(%dma_start3A_49 : memref<128x128xf32, #tpu.memory_space<vmem_shared>>) target_semaphore(%run_scoped3A : memref<!tpu.dma_semaphore, #tpu.memory_space<semaphore_mem>>)
      %dma_wait3A = arith.constant 0 : i32
      %dma_wait3A_50 = tpu.memref_slice %arg12[%add3A_13, %dma_wait3A] : memref<10240x128xf32, #tpu.memory_space<vmem_shared>> -> memref<128x128xf32, #tpu.memory_space<vmem_shared>>
      %dma_wait3A_51 = arith.constant 0 : i32
      %dma_wait3A_52 = tpu.memref_slice %arg12[%add3A_13, %dma_wait3A_51] : memref<10240x128xf32, #tpu.memory_space<vmem_shared>> -> memref<128x128xf32, #tpu.memory_space<vmem_shared>>
      tpu.wait_dma2 semaphore(%run_scoped3A : memref<!tpu.dma_semaphore, #tpu.memory_space<semaphore_mem>>) src(%arg11 : memref<128x128xf32, #tpu.memory_space<vmem>>) dst(%dma_wait3A_52 : memref<128x128xf32, #tpu.memory_space<vmem_shared>>)
      tpu.yield
    }) : () -> ()
    %mul3A_14 = arith.constant 640 : i32
    %mul3A_15 = arith.muli %arg1, %mul3A_14 : i32
    %add3A_16 = arith.constant 256 : i32
    %add3A_17 = arith.addi %mul3A_15, %add3A_16 : i32
    "tpu.region"() ({
      %run_scoped3A = tpu.sem_alloc : memref<!tpu.dma_semaphore, #tpu.memory_space<semaphore_mem>>
      %dma_start3A = arith.constant 0 : i32
      %dma_start3A_47 = tpu.memref_slice %arg12[%add3A_17, %dma_start3A] : memref<10240x128xf32, #tpu.memory_space<vmem_shared>> -> memref<128x128xf32, #tpu.memory_space<vmem_shared>>
      %dma_start3A_48 = arith.constant 0 : i32
      %dma_start3A_49 = tpu.memref_slice %arg12[%add3A_17, %dma_start3A_48] : memref<10240x128xf32, #tpu.memory_space<vmem_shared>> -> memref<128x128xf32, #tpu.memory_space<vmem_shared>>
      tpu.enqueue_dma source(%arg11 : memref<128x128xf32, #tpu.memory_space<vmem>>) target(%dma_start3A_49 : memref<128x128xf32, #tpu.memory_space<vmem_shared>>) target_semaphore(%run_scoped3A : memref<!tpu.dma_semaphore, #tpu.memory_space<semaphore_mem>>)
      %dma_wait3A = arith.constant 0 : i32
      %dma_wait3A_50 = tpu.memref_slice %arg12[%add3A_17, %dma_wait3A] : memref<10240x128xf32, #tpu.memory_space<vmem_shared>> -> memref<128x128xf32, #tpu.memory_space<vmem_shared>>
      %dma_wait3A_51 = arith.constant 0 : i32
      %dma_wait3A_52 = tpu.memref_slice %arg12[%add3A_17, %dma_wait3A_51] : memref<10240x128xf32, #tpu.memory_space<vmem_shared>> -> memref<128x128xf32, #tpu.memory_space<vmem_shared>>
      tpu.wait_dma2 semaphore(%run_scoped3A : memref<!tpu.dma_semaphore, #tpu.memory_space<semaphore_mem>>) src(%arg11 : memref<128x128xf32, #tpu.memory_space<vmem>>) dst(%dma_wait3A_52 : memref<128x128xf32, #tpu.memory_space<vmem_shared>>)
      tpu.yield
    }) : () -> ()
    %mul3A_18 = arith.constant 640 : i32
    %mul3A_19 = arith.muli %arg1, %mul3A_18 : i32
    %add3A_20 = arith.constant 384 : i32
    %add3A_21 = arith.addi %mul3A_19, %add3A_20 : i32
    "tpu.region"() ({
      %run_scoped3A = tpu.sem_alloc : memref<!tpu.dma_semaphore, #tpu.memory_space<semaphore_mem>>
      %dma_start3A = arith.constant 0 : i32
      %dma_start3A_47 = tpu.memref_slice %arg12[%add3A_21, %dma_start3A] : memref<10240x128xf32, #tpu.memory_space<vmem_shared>> -> memref<128x128xf32, #tpu.memory_space<vmem_shared>>
      %dma_start3A_48 = arith.constant 0 : i32
      %dma_start3A_49 = tpu.memref_slice %arg12[%add3A_21, %dma_start3A_48] : memref<10240x128xf32, #tpu.memory_space<vmem_shared>> -> memref<128x128xf32, #tpu.memory_space<vmem_shared>>
      tpu.enqueue_dma source(%arg11 : memref<128x128xf32, #tpu.memory_space<vmem>>) target(%dma_start3A_49 : memref<128x128xf32, #tpu.memory_space<vmem_shared>>) target_semaphore(%run_scoped3A : memref<!tpu.dma_semaphore, #tpu.memory_space<semaphore_mem>>)
      %dma_wait3A = arith.constant 0 : i32
      %dma_wait3A_50 = tpu.memref_slice %arg12[%add3A_21, %dma_wait3A] : memref<10240x128xf32, #tpu.memory_space<vmem_shared>> -> memref<128x128xf32, #tpu.memory_space<vmem_shared>>
      %dma_wait3A_51 = arith.constant 0 : i32
      %dma_wait3A_52 = tpu.memref_slice %arg12[%add3A_21, %dma_wait3A_51] : memref<10240x128xf32, #tpu.memory_space<vmem_shared>> -> memref<128x128xf32, #tpu.memory_space<vmem_shared>>
      tpu.wait_dma2 semaphore(%run_scoped3A : memref<!tpu.dma_semaphore, #tpu.memory_space<semaphore_mem>>) src(%arg11 : memref<128x128xf32, #tpu.memory_space<vmem>>) dst(%dma_wait3A_52 : memref<128x128xf32, #tpu.memory_space<vmem_shared>>)
      tpu.yield
    }) : () -> ()
    %mul3A_22 = arith.constant 640 : i32
    %mul3A_23 = arith.muli %arg1, %mul3A_22 : i32
    %add3A_24 = arith.constant 512 : i32
    %add3A_25 = arith.addi %mul3A_23, %add3A_24 : i32
    "tpu.region"() ({
      %run_scoped3A = tpu.sem_alloc : memref<!tpu.dma_semaphore, #tpu.memory_space<semaphore_mem>>
      %dma_start3A = arith.constant 0 : i32
      %dma_start3A_47 = tpu.memref_slice %arg12[%add3A_25, %dma_start3A] : memref<10240x128xf32, #tpu.memory_space<vmem_shared>> -> memref<128x128xf32, #tpu.memory_space<vmem_shared>>
      %dma_start3A_48 = arith.constant 0 : i32
      %dma_start3A_49 = tpu.memref_slice %arg12[%add3A_25, %dma_start3A_48] : memref<10240x128xf32, #tpu.memory_space<vmem_shared>> -> memref<128x128xf32, #tpu.memory_space<vmem_shared>>
      tpu.enqueue_dma source(%arg11 : memref<128x128xf32, #tpu.memory_space<vmem>>) target(%dma_start3A_49 : memref<128x128xf32, #tpu.memory_space<vmem_shared>>) target_semaphore(%run_scoped3A : memref<!tpu.dma_semaphore, #tpu.memory_space<semaphore_mem>>)
      %dma_wait3A = arith.constant 0 : i32
      %dma_wait3A_50 = tpu.memref_slice %arg12[%add3A_25, %dma_wait3A] : memref<10240x128xf32, #tpu.memory_space<vmem_shared>> -> memref<128x128xf32, #tpu.memory_space<vmem_shared>>
      %dma_wait3A_51 = arith.constant 0 : i32
      %dma_wait3A_52 = tpu.memref_slice %arg12[%add3A_25, %dma_wait3A_51] : memref<10240x128xf32, #tpu.memory_space<vmem_shared>> -> memref<128x128xf32, #tpu.memory_space<vmem_shared>>
      tpu.wait_dma2 semaphore(%run_scoped3A : memref<!tpu.dma_semaphore, #tpu.memory_space<semaphore_mem>>) src(%arg11 : memref<128x128xf32, #tpu.memory_space<vmem>>) dst(%dma_wait3A_52 : memref<128x128xf32, #tpu.memory_space<vmem_shared>>)
      tpu.yield
    }) : () -> ()
    %barrier3A = arith.constant 0 : index
    tpu.barrier barrier_id(%barrier3A)
    %mul3A_26 = arith.constant 40 : i32
    %mul3A_27 = arith.muli %add3A, %mul3A_26 : i32
    "tpu.region"() ({
      %run_scoped3A = tpu.sem_alloc : memref<!tpu.dma_semaphore, #tpu.memory_space<semaphore_mem>>
      %dma_start3A = arith.constant 0 : i32
      %dma_start3A_47 = tpu.memref_slice %arg3[%mul3A_27, %dma_start3A] : memref<1280x128xi32, #tpu.memory_space<hbm>> -> memref<40x128xi32, #tpu.memory_space<hbm>>
      %dma_start3A_48 = arith.constant 0 : i32
      %dma_start3A_49 = tpu.memref_slice %arg3[%mul3A_27, %dma_start3A_48] : memref<1280x128xi32, #tpu.memory_space<hbm>> -> memref<40x128xi32, #tpu.memory_space<hbm>>
      tpu.enqueue_dma source(%dma_start3A_49 : memref<40x128xi32, #tpu.memory_space<hbm>>) target(%arg7 : memref<40x128xi32, #tpu.memory_space<vmem>>) target_semaphore(%run_scoped3A : memref<!tpu.dma_semaphore, #tpu.memory_space<semaphore_mem>>)
      %dma_wait3A = arith.constant 0 : i32
      %dma_wait3A_50 = tpu.memref_slice %arg3[%mul3A_27, %dma_wait3A] : memref<1280x128xi32, #tpu.memory_space<hbm>> -> memref<40x128xi32, #tpu.memory_space<hbm>>
      %dma_wait3A_51 = arith.constant 0 : i32
      %dma_wait3A_52 = tpu.memref_slice %arg3[%mul3A_27, %dma_wait3A_51] : memref<1280x128xi32, #tpu.memory_space<hbm>> -> memref<40x128xi32, #tpu.memory_space<hbm>>
      tpu.wait_dma2 semaphore(%run_scoped3A : memref<!tpu.dma_semaphore, #tpu.memory_space<semaphore_mem>>) src(%dma_wait3A_52 : memref<40x128xi32, #tpu.memory_space<hbm>>) dst(%arg7 : memref<40x128xi32, #tpu.memory_space<vmem>>)
      tpu.yield
    }) : () -> ()
    "tpu.region"() ({
      %run_scoped3A = tpu.sem_alloc : memref<!tpu.dma_semaphore, #tpu.memory_space<semaphore_mem>>
      %dma_start3A = arith.constant 0 : i32
      %dma_start3A_47 = tpu.memref_slice %arg5[%mul3A_27, %dma_start3A] : memref<1280x128xi32, #tpu.memory_space<hbm>> -> memref<40x128xi32, #tpu.memory_space<hbm>>
      %dma_start3A_48 = arith.constant 0 : i32
      %dma_start3A_49 = tpu.memref_slice %arg5[%mul3A_27, %dma_start3A_48] : memref<1280x128xi32, #tpu.memory_space<hbm>> -> memref<40x128xi32, #tpu.memory_space<hbm>>
      tpu.enqueue_dma source(%dma_start3A_49 : memref<40x128xi32, #tpu.memory_space<hbm>>) target(%arg8 : memref<40x128xi32, #tpu.memory_space<vmem>>) target_semaphore(%run_scoped3A : memref<!tpu.dma_semaphore, #tpu.memory_space<semaphore_mem>>)
      %dma_wait3A = arith.constant 0 : i32
      %dma_wait3A_50 = tpu.memref_slice %arg5[%mul3A_27, %dma_wait3A] : memref<1280x128xi32, #tpu.memory_space<hbm>> -> memref<40x128xi32, #tpu.memory_space<hbm>>
      %dma_wait3A_51 = arith.constant 0 : i32
      %dma_wait3A_52 = tpu.memref_slice %arg5[%mul3A_27, %dma_wait3A_51] : memref<1280x128xi32, #tpu.memory_space<hbm>> -> memref<40x128xi32, #tpu.memory_space<hbm>>
      tpu.wait_dma2 semaphore(%run_scoped3A : memref<!tpu.dma_semaphore, #tpu.memory_space<semaphore_mem>>) src(%dma_wait3A_52 : memref<40x128xi32, #tpu.memory_space<hbm>>) dst(%arg8 : memref<40x128xi32, #tpu.memory_space<vmem>>)
      tpu.yield
    }) : () -> ()
    "tpu.region"() ({
      %run_scoped3A = tpu.sem_alloc : memref<!tpu.dma_semaphore, #tpu.memory_space<semaphore_mem>>
      %dma_start3A = arith.constant 0 : i32
      %dma_start3A_47 = tpu.memref_slice %arg4[%mul3A_27, %dma_start3A] : memref<1280x128xi32, #tpu.memory_space<hbm>> -> memref<40x128xi32, #tpu.memory_space<hbm>>
      %dma_start3A_48 = arith.constant 0 : i32
      %dma_start3A_49 = tpu.memref_slice %arg4[%mul3A_27, %dma_start3A_48] : memref<1280x128xi32, #tpu.memory_space<hbm>> -> memref<40x128xi32, #tpu.memory_space<hbm>>
      tpu.enqueue_dma source(%dma_start3A_49 : memref<40x128xi32, #tpu.memory_space<hbm>>) target(%arg9 : memref<40x128xi32, #tpu.memory_space<vmem>>) target_semaphore(%run_scoped3A : memref<!tpu.dma_semaphore, #tpu.memory_space<semaphore_mem>>)
      %dma_wait3A = arith.constant 0 : i32
      %dma_wait3A_50 = tpu.memref_slice %arg4[%mul3A_27, %dma_wait3A] : memref<1280x128xi32, #tpu.memory_space<hbm>> -> memref<40x128xi32, #tpu.memory_space<hbm>>
      %dma_wait3A_51 = arith.constant 0 : i32
      %dma_wait3A_52 = tpu.memref_slice %arg4[%mul3A_27, %dma_wait3A_51] : memref<1280x128xi32, #tpu.memory_space<hbm>> -> memref<40x128xi32, #tpu.memory_space<hbm>>
      tpu.wait_dma2 semaphore(%run_scoped3A : memref<!tpu.dma_semaphore, #tpu.memory_space<semaphore_mem>>) src(%dma_wait3A_52 : memref<40x128xi32, #tpu.memory_space<hbm>>) dst(%arg9 : memref<40x128xi32, #tpu.memory_space<vmem>>)
      tpu.yield
    }) : () -> ()
    %scan3A_28 = arith.constant 0 : i32
    %scan3A_29 = arith.constant 0 : i32
    %scan3A_30 = arith.constant 40 : i32
    %scan3A_31 = arith.addi %scan3A_29, %scan3A_30 : i32
    %scan3A_32 = arith.constant 1 : i32
    scf.for %scan3A_47 = %scan3A_29 to %scan3A_31 step %scan3A_32  : i32 {
      %get3A = arith.index_cast %scan3A_47 : i32 to index
      %get3A_48 = arith.constant 0 : index
      %get3A_49 = tpu.vector_load %arg8[%get3A, %get3A_48] {strides = array<i32>} : memref<40x128xi32, #tpu.memory_space<vmem>>, vector<1x16xi32>,
      %get3A_50 = vector.shape_cast %get3A_49 : vector<1x16xi32> to vector<16xi32>
      %mul3A_51 = arith.constant 10000 : i32
      %mul3A_52 = vector.broadcast %mul3A_51 : i32 to vector<16xi32>
      %mul3A_53 = arith.muli %get3A_50, %mul3A_52 : vector<16xi32>
      %get3A_54 = arith.index_cast %scan3A_47 : i32 to index
      %get3A_55 = arith.constant 0 : index
      %get3A_56 = tpu.vector_load %arg7[%get3A_54, %get3A_55] {strides = array<i32>} : memref<40x128xi32, #tpu.memory_space<vmem>>, vector<1x16xi32>,
      %get3A_57 = vector.shape_cast %get3A_56 : vector<1x16xi32> to vector<16xi32>
      %add3A_58 = arith.addi %mul3A_53, %get3A_57 : vector<16xi32>
      %swap3A = arith.index_cast %scan3A_47 : i32 to index
      %swap3A_59 = arith.constant 0 : index
      %swap3A_60 = tpu.vector_load %arg10[%swap3A, %swap3A_59] {strides = array<i32>} : memref<40x128xi32, #tpu.memory_space<vmem>>, vector<1x16xi32>,
      %swap3A_61 = vector.shape_cast %swap3A_60 : vector<1x16xi32> to vector<16xi32>
      %swap3A_62 = vector.shape_cast %add3A_58 : vector<16xi32> to vector<1x16xi32>
      tpu.vector_store %arg10[%swap3A, %swap3A_59], %swap3A_62 {strides = array<i32>} : memref<40x128xi32, #tpu.memory_space<vmem>>, vector<1x16xi32>,
      %get3A_63 = arith.index_cast %scan3A_47 : i32 to index
      %get3A_64 = arith.constant 16 : index
      %get3A_65 = tpu.vector_load %arg8[%get3A_63, %get3A_64] {strides = array<i32>} : memref<40x128xi32, #tpu.memory_space<vmem>>, vector<1x16xi32>,
      %get3A_66 = vector.shape_cast %get3A_65 : vector<1x16xi32> to vector<16xi32>
      %mul3A_67 = arith.constant 10000 : i32
      %mul3A_68 = vector.broadcast %mul3A_67 : i32 to vector<16xi32>
      %mul3A_69 = arith.muli %get3A_66, %mul3A_68 : vector<16xi32>
      %get3A_70 = arith.index_cast %scan3A_47 : i32 to index
      %get3A_71 = arith.constant 16 : index
      %get3A_72 = tpu.vector_load %arg7[%get3A_70, %get3A_71] {strides = array<i32>} : memref<40x128xi32, #tpu.memory_space<vmem>>, vector<1x16xi32>,
      %get3A_73 = vector.shape_cast %get3A_72 : vector<1x16xi32> to vector<16xi32>
      %add3A_74 = arith.addi %mul3A_69, %get3A_73 : vector<16xi32>
      %swap3A_75 = arith.index_cast %scan3A_47 : i32 to index
      %swap3A_76 = arith.constant 16 : index
      %swap3A_77 = tpu.vector_load %arg10[%swap3A_75, %swap3A_76] {strides = array<i32>} : memref<40x128xi32, #tpu.memory_space<vmem>>, vector<1x16xi32>,
      %swap3A_78 = vector.shape_cast %swap3A_77 : vector<1x16xi32> to vector<16xi32>
      %swap3A_79 = vector.shape_cast %add3A_74 : vector<16xi32> to vector<1x16xi32>
      tpu.vector_store %arg10[%swap3A_75, %swap3A_76], %swap3A_79 {strides = array<i32>} : memref<40x128xi32, #tpu.memory_space<vmem>>, vector<1x16xi32>,
      %get3A_80 = arith.index_cast %scan3A_47 : i32 to index
      %get3A_81 = arith.constant 32 : index
      %get3A_82 = tpu.vector_load %arg8[%get3A_80, %get3A_81] {strides = array<i32>} : memref<40x128xi32, #tpu.memory_space<vmem>>, vector<1x16xi32>,
      %get3A_83 = vector.shape_cast %get3A_82 : vector<1x16xi32> to vector<16xi32>
      %mul3A_84 = arith.constant 10000 : i32
      %mul3A_85 = vector.broadcast %mul3A_84 : i32 to vector<16xi32>
      %mul3A_86 = arith.muli %get3A_83, %mul3A_85 : vector<16xi32>
      %get3A_87 = arith.index_cast %scan3A_47 : i32 to index
      %get3A_88 = arith.constant 32 : index
      %get3A_89 = tpu.vector_load %arg7[%get3A_87, %get3A_88] {strides = array<i32>} : memref<40x128xi32, #tpu.memory_space<vmem>>, vector<1x16xi32>,
      %get3A_90 = vector.shape_cast %get3A_89 : vector<1x16xi32> to vector<16xi32>
      %add3A_91 = arith.addi %mul3A_86, %get3A_90 : vector<16xi32>
      %swap3A_92 = arith.index_cast %scan3A_47 : i32 to index
      %swap3A_93 = arith.constant 32 : index
      %swap3A_94 = tpu.vector_load %arg10[%swap3A_92, %swap3A_93] {strides = array<i32>} : memref<40x128xi32, #tpu.memory_space<vmem>>, vector<1x16xi32>,
      %swap3A_95 = vector.shape_cast %swap3A_94 : vector<1x16xi32> to vector<16xi32>
      %swap3A_96 = vector.shape_cast %add3A_91 : vector<16xi32> to vector<1x16xi32>
      tpu.vector_store %arg10[%swap3A_92, %swap3A_93], %swap3A_96 {strides = array<i32>} : memref<40x128xi32, #tpu.memory_space<vmem>>, vector<1x16xi32>,
      %get3A_97 = arith.index_cast %scan3A_47 : i32 to index
      %get3A_98 = arith.constant 48 : index
      %get3A_99 = tpu.vector_load %arg8[%get3A_97, %get3A_98] {strides = array<i32>} : memref<40x128xi32, #tpu.memory_space<vmem>>, vector<1x16xi32>,
      %get3A_100 = vector.shape_cast %get3A_99 : vector<1x16xi32> to vector<16xi32>
      %mul3A_101 = arith.constant 10000 : i32
      %mul3A_102 = vector.broadcast %mul3A_101 : i32 to vector<16xi32>
      %mul3A_103 = arith.muli %get3A_100, %mul3A_102 : vector<16xi32>
      %get3A_104 = arith.index_cast %scan3A_47 : i32 to index
      %get3A_105 = arith.constant 48 : index
      %get3A_106 = tpu.vector_load %arg7[%get3A_104, %get3A_105] {strides = array<i32>} : memref<40x128xi32, #tpu.memory_space<vmem>>, vector<1x16xi32>,
      %get3A_107 = vector.shape_cast %get3A_106 : vector<1x16xi32> to vector<16xi32>
      %add3A_108 = arith.addi %mul3A_103, %get3A_107 : vector<16xi32>
      %swap3A_109 = arith.index_cast %scan3A_47 : i32 to index
      %swap3A_110 = arith.constant 48 : index
      %swap3A_111 = tpu.vector_load %arg10[%swap3A_109, %swap3A_110] {strides = array<i32>} : memref<40x128xi32, #tpu.memory_space<vmem>>, vector<1x16xi32>,
      %swap3A_112 = vector.shape_cast %swap3A_111 : vector<1x16xi32> to vector<16xi32>
      %swap3A_113 = vector.shape_cast %add3A_108 : vector<16xi32> to vector<1x16xi32>
      tpu.vector_store %arg10[%swap3A_109, %swap3A_110], %swap3A_113 {strides = array<i32>} : memref<40x128xi32, #tpu.memory_space<vmem>>, vector<1x16xi32>,
      %get3A_114 = arith.index_cast %scan3A_47 : i32 to index
      %get3A_115 = arith.constant 64 : index
      %get3A_116 = tpu.vector_load %arg8[%get3A_114, %get3A_115] {strides = array<i32>} : memref<40x128xi32, #tpu.memory_space<vmem>>, vector<1x16xi32>,
      %get3A_117 = vector.shape_cast %get3A_116 : vector<1x16xi32> to vector<16xi32>
      %mul3A_118 = arith.constant 10000 : i32
      %mul3A_119 = vector.broadcast %mul3A_118 : i32 to vector<16xi32>
      %mul3A_120 = arith.muli %get3A_117, %mul3A_119 : vector<16xi32>
      %get3A_121 = arith.index_cast %scan3A_47 : i32 to index
      %get3A_122 = arith.constant 64 : index
      %get3A_123 = tpu.vector_load %arg7[%get3A_121, %get3A_122] {strides = array<i32>} : memref<40x128xi32, #tpu.memory_space<vmem>>, vector<1x16xi32>,
      %get3A_124 = vector.shape_cast %get3A_123 : vector<1x16xi32> to vector<16xi32>
      %add3A_125 = arith.addi %mul3A_120, %get3A_124 : vector<16xi32>
      %swap3A_126 = arith.index_cast %scan3A_47 : i32 to index
      %swap3A_127 = arith.constant 64 : index
      %swap3A_128 = tpu.vector_load %arg10[%swap3A_126, %swap3A_127] {strides = array<i32>} : memref<40x128xi32, #tpu.memory_space<vmem>>, vector<1x16xi32>,
      %swap3A_129 = vector.shape_cast %swap3A_128 : vector<1x16xi32> to vector<16xi32>
      %swap3A_130 = vector.shape_cast %add3A_125 : vector<16xi32> to vector<1x16xi32>
      tpu.vector_store %arg10[%swap3A_126, %swap3A_127], %swap3A_130 {strides = array<i32>} : memref<40x128xi32, #tpu.memory_space<vmem>>, vector<1x16xi32>,
      %get3A_131 = arith.index_cast %scan3A_47 : i32 to index
      %get3A_132 = arith.constant 80 : index
      %get3A_133 = tpu.vector_load %arg8[%get3A_131, %get3A_132] {strides = array<i32>} : memref<40x128xi32, #tpu.memory_space<vmem>>, vector<1x16xi32>,
      %get3A_134 = vector.shape_cast %get3A_133 : vector<1x16xi32> to vector<16xi32>
      %mul3A_135 = arith.constant 10000 : i32
      %mul3A_136 = vector.broadcast %mul3A_135 : i32 to vector<16xi32>
      %mul3A_137 = arith.muli %get3A_134, %mul3A_136 : vector<16xi32>
      %get3A_138 = arith.index_cast %scan3A_47 : i32 to index
      %get3A_139 = arith.constant 80 : index
      %get3A_140 = tpu.vector_load %arg7[%get3A_138, %get3A_139] {strides = array<i32>} : memref<40x128xi32, #tpu.memory_space<vmem>>, vector<1x16xi32>,
      %get3A_141 = vector.shape_cast %get3A_140 : vector<1x16xi32> to vector<16xi32>
      %add3A_142 = arith.addi %mul3A_137, %get3A_141 : vector<16xi32>
      %swap3A_143 = arith.index_cast %scan3A_47 : i32 to index
      %swap3A_144 = arith.constant 80 : index
      %swap3A_145 = tpu.vector_load %arg10[%swap3A_143, %swap3A_144] {strides = array<i32>} : memref<40x128xi32, #tpu.memory_space<vmem>>, vector<1x16xi32>,
      %swap3A_146 = vector.shape_cast %swap3A_145 : vector<1x16xi32> to vector<16xi32>
      %swap3A_147 = vector.shape_cast %add3A_142 : vector<16xi32> to vector<1x16xi32>
      tpu.vector_store %arg10[%swap3A_143, %swap3A_144], %swap3A_147 {strides = array<i32>} : memref<40x128xi32, #tpu.memory_space<vmem>>, vector<1x16xi32>,
      %get3A_148 = arith.index_cast %scan3A_47 : i32 to index
      %get3A_149 = arith.constant 96 : index
      %get3A_150 = tpu.vector_load %arg8[%get3A_148, %get3A_149] {strides = array<i32>} : memref<40x128xi32, #tpu.memory_space<vmem>>, vector<1x16xi32>,
      %get3A_151 = vector.shape_cast %get3A_150 : vector<1x16xi32> to vector<16xi32>
      %mul3A_152 = arith.constant 10000 : i32
      %mul3A_153 = vector.broadcast %mul3A_152 : i32 to vector<16xi32>
      %mul3A_154 = arith.muli %get3A_151, %mul3A_153 : vector<16xi32>
      %get3A_155 = arith.index_cast %scan3A_47 : i32 to index
      %get3A_156 = arith.constant 96 : index
      %get3A_157 = tpu.vector_load %arg7[%get3A_155, %get3A_156] {strides = array<i32>} : memref<40x128xi32, #tpu.memory_space<vmem>>, vector<1x16xi32>,
      %get3A_158 = vector.shape_cast %get3A_157 : vector<1x16xi32> to vector<16xi32>
      %add3A_159 = arith.addi %mul3A_154, %get3A_158 : vector<16xi32>
      %swap3A_160 = arith.index_cast %scan3A_47 : i32 to index
      %swap3A_161 = arith.constant 96 : index
      %swap3A_162 = tpu.vector_load %arg10[%swap3A_160, %swap3A_161] {strides = array<i32>} : memref<40x128xi32, #tpu.memory_space<vmem>>, vector<1x16xi32>,
      %swap3A_163 = vector.shape_cast %swap3A_162 : vector<1x16xi32> to vector<16xi32>
      %swap3A_164 = vector.shape_cast %add3A_159 : vector<16xi32> to vector<1x16xi32>
      tpu.vector_store %arg10[%swap3A_160, %swap3A_161], %swap3A_164 {strides = array<i32>} : memref<40x128xi32, #tpu.memory_space<vmem>>, vector<1x16xi32>,
      %get3A_165 = arith.index_cast %scan3A_47 : i32 to index
      %get3A_166 = arith.constant 112 : index
      %get3A_167 = tpu.vector_load %arg8[%get3A_165, %get3A_166] {strides = array<i32>} : memref<40x128xi32, #tpu.memory_space<vmem>>, vector<1x16xi32>,
      %get3A_168 = vector.shape_cast %get3A_167 : vector<1x16xi32> to vector<16xi32>
      %mul3A_169 = arith.constant 10000 : i32
      %mul3A_170 = vector.broadcast %mul3A_169 : i32 to vector<16xi32>
      %mul3A_171 = arith.muli %get3A_168, %mul3A_170 : vector<16xi32>
      %get3A_172 = arith.index_cast %scan3A_47 : i32 to index
      %get3A_173 = arith.constant 112 : index
      %get3A_174 = tpu.vector_load %arg7[%get3A_172, %get3A_173] {strides = array<i32>} : memref<40x128xi32, #tpu.memory_space<vmem>>, vector<1x16xi32>,
      %get3A_175 = vector.shape_cast %get3A_174 : vector<1x16xi32> to vector<16xi32>
      %add3A_176 = arith.addi %mul3A_171, %get3A_175 : vector<16xi32>
      %swap3A_177 = arith.index_cast %scan3A_47 : i32 to index
      %swap3A_178 = arith.constant 112 : index
      %swap3A_179 = tpu.vector_load %arg10[%swap3A_177, %swap3A_178] {strides = array<i32>} : memref<40x128xi32, #tpu.memory_space<vmem>>, vector<1x16xi32>,
      %swap3A_180 = vector.shape_cast %swap3A_179 : vector<1x16xi32> to vector<16xi32>
      %swap3A_181 = vector.shape_cast %add3A_176 : vector<16xi32> to vector<1x16xi32>
      tpu.vector_store %arg10[%swap3A_177, %swap3A_178], %swap3A_181 {strides = array<i32>} : memref<40x128xi32, #tpu.memory_space<vmem>>, vector<1x16xi32>,
    }
    %scan3A_33 = arith.constant 40 : i32
    %scan3A_34 = arith.constant 0 : i32
    %scan3A_35 = arith.constant 0 : i32
    %scan3A_36 = arith.constant 40 : i32
    %scan3A_37 = arith.addi %scan3A_35, %scan3A_36 : i32
    %scan3A_38 = arith.constant 1 : i32
    scf.for %scan3A_47 = %scan3A_35 to %scan3A_37 step %scan3A_38  : i32 {
      %dma_start3A = arith.constant 0 : i32
      %dma_start3A_48 = tpu.memref_slice %arg10[%scan3A_47, %dma_start3A] : memref<40x128xi32, #tpu.memory_space<vmem>> -> memref<1x128xi32, #tpu.memory_space<vmem>>
      %dma_start3A_49 = tpu.memref_squeeze %dma_start3A_48 : memref<1x128xi32, #tpu.memory_space<vmem>> -> memref<128xi32, #tpu.memory_space<vmem>>
      %dma_start3A_50 = arith.constant 0 : i32
      %dma_start3A_51 = arith.constant 0 : i32
      %dma_start3A_52 = tpu.memref_slice %arg2[%dma_start3A_50, %dma_start3A_51] : memref<270000x128xf32, #tpu.memory_space<hbm>> -> memref<270000x128xf32, #tpu.memory_space<hbm>>
      tpu.enqueue_indirect_dma source(%dma_start3A_52 : memref<270000x128xf32, #tpu.memory_space<hbm>>) target(%arg11 : memref<128x128xf32, #tpu.memory_space<vmem>>) offsets(%dma_start3A_49 : memref<128xi32, #tpu.memory_space<vmem>>) semaphore(%arg13 : memref<!tpu.dma_semaphore, #tpu.memory_space<semaphore_mem>>)
      %dma_wait3A = arith.constant 0 : i32
      %dma_wait3A_53 = tpu.memref_slice %arg10[%scan3A_47, %dma_wait3A] : memref<40x128xi32, #tpu.memory_space<vmem>> -> memref<1x128xi32, #tpu.memory_space<vmem>>
      %dma_wait3A_54 = tpu.memref_squeeze %dma_wait3A_53 : memref<1x128xi32, #tpu.memory_space<vmem>> -> memref<128xi32, #tpu.memory_space<vmem>>
      %dma_wait3A_55 = arith.constant 0 : i32
      %dma_wait3A_56 = arith.constant 0 : i32
      %dma_wait3A_57 = tpu.memref_slice %arg2[%dma_wait3A_55, %dma_wait3A_56] : memref<270000x128xf32, #tpu.memory_space<hbm>> -> memref<270000x128xf32, #tpu.memory_space<hbm>>
      tpu.wait_indirect_dma semaphore(%arg13 : memref<!tpu.dma_semaphore, #tpu.memory_space<semaphore_mem>>) src(%dma_wait3A_57 : memref<270000x128xf32, #tpu.memory_space<hbm>>) dst(%arg11 : memref<128x128xf32, #tpu.memory_space<vmem>>)
      "tpu.region"() ({
        %run_scoped3A = tpu.sem_alloc : memref<!tpu.dma_semaphore, #tpu.memory_space<semaphore_mem>>
        %dma_start3A_58 = arith.constant 0 : i32
        %dma_start3A_59 = tpu.memref_slice %arg9[%scan3A_47, %dma_start3A_58] : memref<40x128xi32, #tpu.memory_space<vmem>> -> memref<1x128xi32, #tpu.memory_space<vmem>>
        %dma_start3A_60 = tpu.memref_squeeze %dma_start3A_59 : memref<1x128xi32, #tpu.memory_space<vmem>> -> memref<128xi32, #tpu.memory_space<vmem>>
        %dma_start3A_61 = arith.constant 0 : i32
        %dma_start3A_62 = arith.constant 0 : i32
        %dma_start3A_63 = tpu.memref_slice %arg12[%dma_start3A_61, %dma_start3A_62] : memref<10240x128xf32, #tpu.memory_space<vmem_shared>> -> memref<10240x128xf32, #tpu.memory_space<vmem_shared>>
        tpu.enqueue_indirect_dma source(%arg11 : memref<128x128xf32, #tpu.memory_space<vmem>>) target(%dma_start3A_63 : memref<10240x128xf32, #tpu.memory_space<vmem_shared>>) offsets(%dma_start3A_60 : memref<128xi32, #tpu.memory_space<vmem>>) semaphore(%run_scoped3A : memref<!tpu.dma_semaphore, #tpu.memory_space<semaphore_mem>>) {add = true}
        %dma_wait3A_64 = arith.constant 0 : i32
        %dma_wait3A_65 = tpu.memref_slice %arg9[%scan3A_47, %dma_wait3A_64] : memref<40x128xi32, #tpu.memory_space<vmem>> -> memref<1x128xi32, #tpu.memory_space<vmem>>
        %dma_wait3A_66 = tpu.memref_squeeze %dma_wait3A_65 : memref<1x128xi32, #tpu.memory_space<vmem>> -> memref<128xi32, #tpu.memory_space<vmem>>
        %dma_wait3A_67 = arith.constant 0 : i32
        %dma_wait3A_68 = arith.constant 0 : i32
        %dma_wait3A_69 = tpu.memref_slice %arg12[%dma_wait3A_67, %dma_wait3A_68] : memref<10240x128xf32, #tpu.memory_space<vmem_shared>> -> memref<10240x128xf32, #tpu.memory_space<vmem_shared>>
        tpu.wait_indirect_dma semaphore(%run_scoped3A : memref<!tpu.dma_semaphore, #tpu.memory_space<semaphore_mem>>) src(%arg11 : memref<128x128xf32, #tpu.memory_space<vmem>>) dst(%dma_wait3A_69 : memref<10240x128xf32, #tpu.memory_space<vmem_shared>>)
        tpu.yield
      }) : () -> ()
    }
    %scan3A_39 = arith.constant 40 : i32
    %barrier3A_40 = arith.constant 0 : index
    tpu.barrier barrier_id(%barrier3A_40)
    %lt3A = arith.constant 15 : i32
    %lt3A_41 = arith.cmpi slt, %arg1, %lt3A : i32
    %convert_element_type3A = arith.extui %lt3A_41 : i1 to i32
    %cond3A = arith.constant 0 : i32
    %cond3A_42 = arith.cmpi ne, %convert_element_type3A, %cond3A : i32
    scf.if %cond3A_42 {
      %mul3A_47 = arith.constant 632 : i32
      %mul3A_48 = arith.muli %arg1, %mul3A_47 : i32
      %mul3A_49 = arith.constant 632 : i32
      %mul3A_50 = arith.muli %arg1, %mul3A_49 : i32
      "tpu.region"() ({
        %run_scoped3A = tpu.sem_alloc : memref<!tpu.dma_semaphore, #tpu.memory_space<semaphore_mem>>
        %dma_start3A = arith.constant 0 : i32
        %dma_start3A_51 = tpu.memref_slice %arg6[%arg0, %mul3A_50, %dma_start3A] : memref<2x10000x128xf32, #tpu.memory_space<hbm>> -> memref<1x632x128xf32, #tpu.memory_space<hbm>>
        %dma_start3A_52 = tpu.memref_squeeze %dma_start3A_51 : memref<1x632x128xf32, #tpu.memory_space<hbm>> -> memref<632x128xf32, #tpu.memory_space<hbm>>
        %dma_start3A_53 = arith.constant 0 : i32
        %dma_start3A_54 = tpu.memref_slice %arg12[%mul3A_48, %dma_start3A_53] : memref<10240x128xf32, #tpu.memory_space<vmem_shared>> -> memref<632x128xf32, #tpu.memory_space<vmem_shared>>
        tpu.enqueue_dma source(%dma_start3A_54 : memref<632x128xf32, #tpu.memory_space<vmem_shared>>) target(%dma_start3A_52 : memref<632x128xf32, #tpu.memory_space<hbm>>) target_semaphore(%run_scoped3A : memref<!tpu.dma_semaphore, #tpu.memory_space<semaphore_mem>>)
        %dma_wait3A = arith.constant 0 : i32
        %dma_wait3A_55 = tpu.memref_slice %arg6[%arg0, %mul3A_50, %dma_wait3A] : memref<2x10000x128xf32, #tpu.memory_space<hbm>> -> memref<1x632x128xf32, #tpu.memory_space<hbm>>
        %dma_wait3A_56 = tpu.memref_squeeze %dma_wait3A_55 : memref<1x632x128xf32, #tpu.memory_space<hbm>> -> memref<632x128xf32, #tpu.memory_space<hbm>>
        %dma_wait3A_57 = arith.constant 0 : i32
        %dma_wait3A_58 = tpu.memref_slice %arg12[%mul3A_48, %dma_wait3A_57] : memref<10240x128xf32, #tpu.memory_space<vmem_shared>> -> memref<632x128xf32, #tpu.memory_space<vmem_shared>>
        tpu.wait_dma2 semaphore(%run_scoped3A : memref<!tpu.dma_semaphore, #tpu.memory_space<semaphore_mem>>) src(%dma_wait3A_58 : memref<632x128xf32, #tpu.memory_space<vmem_shared>>) dst(%dma_wait3A_56 : memref<632x128xf32, #tpu.memory_space<hbm>>)
        tpu.yield
      }) : () -> ()
    } else {
    }
    %eq3A = arith.constant 15 : i32
    %eq3A_43 = arith.cmpi eq, %arg1, %eq3A : i32
    %convert_element_type3A_44 = arith.extui %eq3A_43 : i1 to i32
    %cond3A_45 = arith.constant 0 : i32
    %cond3A_46 = arith.cmpi ne, %convert_element_type3A_44, %cond3A_45 : i32
    scf.if %cond3A_46 {
      "tpu.region"() ({
        %run_scoped3A = tpu.sem_alloc : memref<!tpu.dma_semaphore, #tpu.memory_space<semaphore_mem>>
        %dma_start3A = arith.constant 9480 : i32
        %dma_start3A_47 = arith.constant 0 : i32
        %dma_start3A_48 = tpu.memref_slice %arg6[%arg0, %dma_start3A, %dma_start3A_47] : memref<2x10000x128xf32, #tpu.memory_space<hbm>> -> memref<1x520x128xf32, #tpu.memory_space<hbm>>
        %dma_start3A_49 = tpu.memref_squeeze %dma_start3A_48 : memref<1x520x128xf32, #tpu.memory_space<hbm>> -> memref<520x128xf32, #tpu.memory_space<hbm>>
        %dma_start3A_50 = arith.constant 9480 : i32
        %dma_start3A_51 = arith.constant 0 : i32
        %dma_start3A_52 = tpu.memref_slice %arg12[%dma_start3A_50, %dma_start3A_51] : memref<10240x128xf32, #tpu.memory_space<vmem_shared>> -> memref<520x128xf32, #tpu.memory_space<vmem_shared>>
        tpu.enqueue_dma source(%dma_start3A_52 : memref<520x128xf32, #tpu.memory_space<vmem_shared>>) target(%dma_start3A_49 : memref<520x128xf32, #tpu.memory_space<hbm>>) target_semaphore(%run_scoped3A : memref<!tpu.dma_semaphore, #tpu.memory_space<semaphore_mem>>)
        %dma_wait3A = arith.constant 9480 : i32
        %dma_wait3A_53 = arith.constant 0 : i32
        %dma_wait3A_54 = tpu.memref_slice %arg6[%arg0, %dma_wait3A, %dma_wait3A_53] : memref<2x10000x128xf32, #tpu.memory_space<hbm>> -> memref<1x520x128xf32, #tpu.memory_space<hbm>>
        %dma_wait3A_55 = tpu.memref_squeeze %dma_wait3A_54 : memref<1x520x128xf32, #tpu.memory_space<hbm>> -> memref<520x128xf32, #tpu.memory_space<hbm>>
        %dma_wait3A_56 = arith.constant 9480 : i32
        %dma_wait3A_57 = arith.constant 0 : i32
        %dma_wait3A_58 = tpu.memref_slice %arg12[%dma_wait3A_56, %dma_wait3A_57] : memref<10240x128xf32, #tpu.memory_space<vmem_shared>> -> memref<520x128xf32, #tpu.memory_space<vmem_shared>>
        tpu.wait_dma2 semaphore(%run_scoped3A : memref<!tpu.dma_semaphore, #tpu.memory_space<semaphore_mem>>) src(%dma_wait3A_58 : memref<520x128xf32, #tpu.memory_space<vmem_shared>>) dst(%dma_wait3A_55 : memref<520x128xf32, #tpu.memory_space<hbm>>)
        tpu.yield
      }) : () -> ()
    } else {
    }
    return
  }
}

module attributes {stable_mosaic.version = 14 : i64} {
  func.func @_mm_body(%arg0: i32, %arg1: i32, %arg2: memref<1000x128xf32, #tpu.memory_space<vmem>>, %arg3: memref<1x128x128xf32, #tpu.memory_space<vmem>>, %arg4: memref<1x1000x128xf32, #tpu.memory_space<vmem>>) attributes {dimension_semantics = [#tpu.dimension_semantics<arbitrary>, #tpu.dimension_semantics<arbitrary>], iteration_bounds = array<i64: 10, 27>, scalar_prefetch = 0 : i64, scratch_operands = 0 : i64, tpu.core_type = #tpu.core_type<tc>, window_params = [{transform_indices = @transform_0, window_bounds = array<i64: 1000, 128>}, {transform_indices = @transform_1, window_bounds = array<i64: 1, 128, 128>}, {transform_indices = @transform_2, window_bounds = array<i64: 1, 1000, 128>}]} {
    %get3A = arith.constant 0 : index
    %get3A_0 = arith.constant 0 : index
    %get3A_1 = vector.load %arg2[%get3A, %get3A_0] : memref<1000x128xf32, #tpu.memory_space<vmem>>, vector<1000x128xf32>
    %get3A_2 = arith.constant 0 : index
    %get3A_3 = arith.constant 0 : index
    %get3A_4 = arith.constant 0 : index
    %get3A_5 = vector.load %arg3[%get3A_2, %get3A_3, %get3A_4] : memref<1x128x128xf32, #tpu.memory_space<vmem>>, vector<1x128x128xf32>
    %get3A_6 = vector.shape_cast %get3A_5 : vector<1x128x128xf32> to vector<128x128xf32>
    %dot_general3A = arith.constant dense<0.000000e+00> : vector<1000x128xf32>
    %dot_general3A_7 = tpu.matmul %get3A_1, %get3A_6, %dot_general3A {dimension_numbers = #tpu.dot_dimension_numbers<[1], [0], [0], [1], [0, 0, 1, 1], [], []>, transpose_lhs_hint = false} : vector<1000x128xf32>, vector<128x128xf32>, vector<1000x128xf32> -> vector<1000x128xf32>
    %swap3A = arith.constant 0 : index
    %swap3A_8 = arith.constant 0 : index
    %swap3A_9 = arith.constant 0 : index
    %swap3A_10 = vector.load %arg4[%swap3A, %swap3A_8, %swap3A_9] : memref<1x1000x128xf32, #tpu.memory_space<vmem>>, vector<1x1000x128xf32>
    %swap3A_11 = vector.shape_cast %swap3A_10 : vector<1x1000x128xf32> to vector<1000x128xf32>
    %swap3A_12 = vector.shape_cast %dot_general3A_7 : vector<1000x128xf32> to vector<1x1000x128xf32>
    tpu.vector_store %arg4[%swap3A, %swap3A_8, %swap3A_9], %swap3A_12 {strides = array<i32>} : memref<1x1000x128xf32, #tpu.memory_space<vmem>>, vector<1x1000x128xf32>,
    return
  }
  func.func @transform_0(%arg0: i32, %arg1: i32) -> (i32, i32) {
    %c0_i32 = arith.constant 0 : i32
    %c0_i32_0 = arith.constant 0 : i32
    return %arg0, %c0_i32 : i32, i32
  }
  func.func @transform_1(%arg0: i32, %arg1: i32) -> (i32, i32, i32) {
    %c0_i32 = arith.constant 0 : i32
    %c0_i32_0 = arith.constant 0 : i32
    %c0_i32_1 = arith.constant 0 : i32
    return %arg1, %c0_i32, %c0_i32_0 : i32, i32, i32
  }
  func.func @transform_2(%arg0: i32, %arg1: i32) -> (i32, i32, i32) {
    %c0_i32 = arith.constant 0 : i32
    %c0_i32_0 = arith.constant 0 : i32
    return %arg1, %arg0, %c0_i32 : i32, i32, i32
  }
}

module attributes {stable_mosaic.version = 14 : i64} {
  func.func @_bn2_body(%arg0: memref<2x10000x128xf32, #tpu.memory_space<vmem>>, %arg1: memref<10000x128xf32, #tpu.memory_space<vmem>>, %arg2: memref<1x128xf32, #tpu.memory_space<vmem>>, %arg3: memref<1x128xf32, #tpu.memory_space<vmem>>, %arg4: memref<10000x128xf32, #tpu.memory_space<vmem>>) attributes {dimension_semantics = [], scalar_prefetch = 0 : i64, scratch_operands = 0 : i64, tpu.core_type = #tpu.core_type<tc>} {
    %get3A = arith.constant 0 : index
    %get3A_0 = arith.constant 0 : index
    %get3A_1 = arith.constant 0 : index
    %get3A_2 = vector.load %arg0[%get3A, %get3A_0, %get3A_1] : memref<2x10000x128xf32, #tpu.memory_space<vmem>>, vector<1x10000x128xf32>
    %get3A_3 = vector.shape_cast %get3A_2 : vector<1x10000x128xf32> to vector<10000x128xf32>
    %get3A_4 = arith.constant 1 : index
    %get3A_5 = arith.constant 0 : index
    %get3A_6 = arith.constant 0 : index
    %get3A_7 = vector.load %arg0[%get3A_4, %get3A_5, %get3A_6] : memref<2x10000x128xf32, #tpu.memory_space<vmem>>, vector<1x10000x128xf32>
    %get3A_8 = vector.shape_cast %get3A_7 : vector<1x10000x128xf32> to vector<10000x128xf32>
    %add3A = arith.addf %get3A_3, %get3A_8 : vector<10000x128xf32>
    %get3A_9 = arith.constant 0 : index
    %get3A_10 = arith.constant 0 : index
    %get3A_11 = vector.load %arg1[%get3A_9, %get3A_10] : memref<10000x128xf32, #tpu.memory_space<vmem>>, vector<10000x128xf32>
    %add3A_12 = arith.addf %add3A, %get3A_11 : vector<10000x128xf32>
    %reduce_sum3A = arith.constant dense<0.000000e+00> : vector<128xf32>
    %reduce_sum3A_13 = vector.multi_reduction <add>, %add3A_12, %reduce_sum3A [0] : vector<10000x128xf32> to vector<128xf32>
    %broadcast_in_dim3A = vector.shape_cast %reduce_sum3A_13 : vector<128xf32> to vector<1x128xf32>
    %div3A = arith.constant 1.000000e+04 : f32
    %div3A_14 = vector.broadcast %div3A : f32 to vector<1x128xf32>
    %div3A_15 = arith.divf %broadcast_in_dim3A, %div3A_14 : vector<1x128xf32>
    %sub3A = vector.broadcast %div3A_15 : vector<1x128xf32> to vector<10000x128xf32>
    %sub3A_16 = arith.subf %add3A_12, %sub3A : vector<10000x128xf32>
    %mul3A = arith.mulf %sub3A_16, %sub3A_16 : vector<10000x128xf32>
    %reduce_sum3A_17 = arith.constant dense<0.000000e+00> : vector<128xf32>
    %reduce_sum3A_18 = vector.multi_reduction <add>, %mul3A, %reduce_sum3A_17 [0] : vector<10000x128xf32> to vector<128xf32>
    %broadcast_in_dim3A_19 = vector.shape_cast %reduce_sum3A_18 : vector<128xf32> to vector<1x128xf32>
    %div3A_20 = arith.constant 1.000000e+04 : f32
    %div3A_21 = vector.broadcast %div3A_20 : f32 to vector<1x128xf32>
    %div3A_22 = arith.divf %broadcast_in_dim3A_19, %div3A_21 : vector<1x128xf32>
    %get3A_23 = arith.constant 0 : index
    %get3A_24 = arith.constant 0 : index
    %get3A_25 = vector.load %arg2[%get3A_23, %get3A_24] : memref<1x128xf32, #tpu.memory_space<vmem>>, vector<1x128xf32>
    %mul3A_26 = vector.broadcast %get3A_25 : vector<1x128xf32> to vector<10000x128xf32>
    %mul3A_27 = arith.mulf %mul3A_26, %sub3A_16 : vector<10000x128xf32>
    %add3A_28 = arith.constant 9.99999974E-6 : f32
    %add3A_29 = vector.broadcast %add3A_28 : f32 to vector<1x128xf32>
    %add3A_30 = arith.addf %div3A_22, %add3A_29 : vector<1x128xf32>
    %rsqrt3A = math.rsqrt %add3A_30 : vector<1x128xf32>
    %mul3A_31 = vector.broadcast %rsqrt3A : vector<1x128xf32> to vector<10000x128xf32>
    %mul3A_32 = arith.mulf %mul3A_27, %mul3A_31 : vector<10000x128xf32>
    %get3A_33 = arith.constant 0 : index
    %get3A_34 = arith.constant 0 : index
    %get3A_35 = vector.load %arg3[%get3A_33, %get3A_34] : memref<1x128xf32, #tpu.memory_space<vmem>>, vector<1x128xf32>
    %add3A_36 = vector.broadcast %get3A_35 : vector<1x128xf32> to vector<10000x128xf32>
    %add3A_37 = arith.addf %mul3A_32, %add3A_36 : vector<10000x128xf32>
    %swap3A = arith.constant 0 : index
    %swap3A_38 = arith.constant 0 : index
    %swap3A_39 = vector.load %arg4[%swap3A, %swap3A_38] : memref<10000x128xf32, #tpu.memory_space<vmem>>, vector<10000x128xf32>
    tpu.vector_store %arg4[%swap3A, %swap3A_38], %add3A_37 {strides = array<i32>} : memref<10000x128xf32, #tpu.memory_space<vmem>>, vector<10000x128xf32>,
    return
  }
}

module attributes {stable_mosaic.version = 14 : i64} {
  func.func @_bn1_body(%arg0: memref<2x10000x128xf32, #tpu.memory_space<vmem>>, %arg1: memref<1x128xf32, #tpu.memory_space<vmem>>, %arg2: memref<1x128xf32, #tpu.memory_space<vmem>>, %arg3: memref<10000x128xf32, #tpu.memory_space<vmem>>) attributes {dimension_semantics = [], scalar_prefetch = 0 : i64, scratch_operands = 0 : i64, tpu.core_type = #tpu.core_type<tc>} {
    %get3A = arith.constant 0 : index
    %get3A_0 = arith.constant 0 : index
    %get3A_1 = arith.constant 0 : index
    %get3A_2 = vector.load %arg0[%get3A, %get3A_0, %get3A_1] : memref<2x10000x128xf32, #tpu.memory_space<vmem>>, vector<1x10000x128xf32>
    %get3A_3 = vector.shape_cast %get3A_2 : vector<1x10000x128xf32> to vector<10000x128xf32>
    %get3A_4 = arith.constant 1 : index
    %get3A_5 = arith.constant 0 : index
    %get3A_6 = arith.constant 0 : index
    %get3A_7 = vector.load %arg0[%get3A_4, %get3A_5, %get3A_6] : memref<2x10000x128xf32, #tpu.memory_space<vmem>>, vector<1x10000x128xf32>
    %get3A_8 = vector.shape_cast %get3A_7 : vector<1x10000x128xf32> to vector<10000x128xf32>
    %add3A = arith.addf %get3A_3, %get3A_8 : vector<10000x128xf32>
    %ge3A = arith.constant 0.000000e+00 : f32
    %ge3A_9 = vector.broadcast %ge3A : f32 to vector<10000x128xf32>
    %ge3A_10 = arith.cmpf oge, %add3A, %ge3A_9 : vector<10000x128xf32>
    %mul3A = arith.constant 0.00999999977 : f32
    %mul3A_11 = vector.broadcast %mul3A : f32 to vector<10000x128xf32>
    %mul3A_12 = arith.mulf %mul3A_11, %add3A : vector<10000x128xf32>
    %select_n3A = arith.select %ge3A_10, %add3A, %mul3A_12 : vector<10000x128xi1>, vector<10000x128xf32>
    %reduce_sum3A = arith.constant dense<0.000000e+00> : vector<128xf32>
    %reduce_sum3A_13 = vector.multi_reduction <add>, %select_n3A, %reduce_sum3A [0] : vector<10000x128xf32> to vector<128xf32>
    %broadcast_in_dim3A = vector.shape_cast %reduce_sum3A_13 : vector<128xf32> to vector<1x128xf32>
    %div3A = arith.constant 1.000000e+04 : f32
    %div3A_14 = vector.broadcast %div3A : f32 to vector<1x128xf32>
    %div3A_15 = arith.divf %broadcast_in_dim3A, %div3A_14 : vector<1x128xf32>
    %sub3A = vector.broadcast %div3A_15 : vector<1x128xf32> to vector<10000x128xf32>
    %sub3A_16 = arith.subf %select_n3A, %sub3A : vector<10000x128xf32>
    %mul3A_17 = arith.mulf %sub3A_16, %sub3A_16 : vector<10000x128xf32>
    %reduce_sum3A_18 = arith.constant dense<0.000000e+00> : vector<128xf32>
    %reduce_sum3A_19 = vector.multi_reduction <add>, %mul3A_17, %reduce_sum3A_18 [0] : vector<10000x128xf32> to vector<128xf32>
    %broadcast_in_dim3A_20 = vector.shape_cast %reduce_sum3A_19 : vector<128xf32> to vector<1x128xf32>
    %div3A_21 = arith.constant 1.000000e+04 : f32
    %div3A_22 = vector.broadcast %div3A_21 : f32 to vector<1x128xf32>
    %div3A_23 = arith.divf %broadcast_in_dim3A_20, %div3A_22 : vector<1x128xf32>
    %get3A_24 = arith.constant 0 : index
    %get3A_25 = arith.constant 0 : index
    %get3A_26 = vector.load %arg1[%get3A_24, %get3A_25] : memref<1x128xf32, #tpu.memory_space<vmem>>, vector<1x128xf32>
    %mul3A_27 = vector.broadcast %get3A_26 : vector<1x128xf32> to vector<10000x128xf32>
    %mul3A_28 = arith.mulf %mul3A_27, %sub3A_16 : vector<10000x128xf32>
    %add3A_29 = arith.constant 9.99999974E-6 : f32
    %add3A_30 = vector.broadcast %add3A_29 : f32 to vector<1x128xf32>
    %add3A_31 = arith.addf %div3A_23, %add3A_30 : vector<1x128xf32>
    %rsqrt3A = math.rsqrt %add3A_31 : vector<1x128xf32>
    %mul3A_32 = vector.broadcast %rsqrt3A : vector<1x128xf32> to vector<10000x128xf32>
    %mul3A_33 = arith.mulf %mul3A_28, %mul3A_32 : vector<10000x128xf32>
    %get3A_34 = arith.constant 0 : index
    %get3A_35 = arith.constant 0 : index
    %get3A_36 = vector.load %arg2[%get3A_34, %get3A_35] : memref<1x128xf32, #tpu.memory_space<vmem>>, vector<1x128xf32>
    %add3A_37 = vector.broadcast %get3A_36 : vector<1x128xf32> to vector<10000x128xf32>
    %add3A_38 = arith.addf %mul3A_33, %add3A_37 : vector<10000x128xf32>
    %swap3A = arith.constant 0 : index
    %swap3A_39 = arith.constant 0 : index
    %swap3A_40 = vector.load %arg3[%swap3A, %swap3A_39] : memref<10000x128xf32, #tpu.memory_space<vmem>>, vector<10000x128xf32>
    tpu.vector_store %arg3[%swap3A, %swap3A_39], %add3A_38 {strides = array<i32>} : memref<10000x128xf32, #tpu.memory_space<vmem>>, vector<10000x128xf32>,
    return
  }
}

</mosaic_0001>

<sc_bundles>
// kernel: kernel.11.cloned.1.call-start
scs
__scs_entry_jumppad:
0x0: {  	(pc) =	sbr.rel $0x88, $3  }
0x1: {  	(tag) =	ssettag $0x0;
	lr =	simm.s32 $0x1  }
0x2: {  	[smem:$0x3F96] =	sst lr;
	_ =	strace $0xD0000000  }
0x3: {  	_ = 	snop  }
0x4: {  	_ = 	snop  }
0x5: {  	_ = 	snop  }
0x6: {  	_ = 	snop  }
0x7: {  	_ = 	snop  }
__scs_overlays_trampoline_lowered:
0x8: {  	[smem:$0x3FA5] =	sst s0  }
0x9: {  	[smem:$0x3FA6] =	sst s1  }
0xa: {  	[smem:$0x3FA7] =	sst s2  }
0xb: {  	[smem:$0x3FA8] =	sst s3  }
0xc: {  	[smem:$0x3FA9] =	sst s4  }
0xd: {  	[smem:$0x3FAA] =	sst s5  }
0xe: {  	[smem:$0x3FAB] =	sst s6  }
0xf: {  	[smem:$0x3FAC] =	sst s7  }
0x10: {  	[smem:$0x3FAD] =	sst s8  }
0x11: {  	[smem:$0x3FAE] =	sst s9;
	s0 =	simm.s32 @!p0 $0x0  }
0x12: {  	s1 =	sld [smem:$0x3F94];
	s0 =	simm.s32 @p0 $0x1  }
0x13: {  	[smem:$0x3FAF] =	sst s0;
	s0 =	simm.s32 @!p1 $0x0  }
0x14: {  	s2 =	sld [smem:$0x3F93];
	s0 =	simm.s32 @p1 $0x1  }
0x15: {  	[smem:$0x3FB0] =	sst s0;
	s0 =	simm.s32 @!p2 $0x0  }
0x16: {  	s3 =	sld [smem:$0x3FDB];
	s0 =	simm.s32 @p2 $0x1  }
0x17: {  	s4 =	simm.s32 $0x1BF5;
	[smem:$0x3FB2] =	sst s0  }
0x18: {  	s0 =	sld [smem:$0x3F95];
	_ =	swait.ge [sflag:s4], $0x0  }
0x19: {  	s7 =	sld [smem:$0x3F96]  }
0x1a: {  	s8 =	sadd.s32 $0xFFFFE003, lr  }
0x1b: {  	s9 =	sadd.s32 $0xFFFFFEF7, lr;
	s5 =	simm.s32 $0xFFFFFFFF;
	p2 =	slt.u32 s8, $0xFFFFF086  }
0x1c: {  	p1 =	slt.u32 s9, $0xF7A;
	s5 =	simm.s32 @!p2 $0x0  }
0x1d: {  	s5 =	simm.s32 @p1 $0x1;
	p0 =	seq.s32 s7, s2  }
0x1e: {  	s7 =	smul.u32 @!p0 $0xF7A, s2;
	p2 =	seq.s32 @!p0 s5, $0x0  }
0x1f: {  	s9 =	smul.u32 $0xF7A, s1;
	s8 =	simm.s32 @!p0 $0x1BF5;
	p2 =	por !p2, p0  }
0x20: {  	[sflag:s8] =	ssyncset.s32 @!p0 $0xFFFFF086;
	s6 =	sadd.s32 @!p0 s3, s7;
	s7 =	simm.s32 @!p0 $0x108  }
0x21: {  	s3 =	sadd.s32 s3, s9;
	s6 =	sadd.s32 @!p0 $0x88, s6;
	s7 =	simm.s32 @p2 $0x1082  }
0x22: {  	[simem:s7], [sflag:s8] =	dma.local @!p0 [hbm:s6], $0xF7A  }
0x23: {  	s9 =	sor.u32 $0xD0000000, s2;
	s6 =	simm.s32 $0x108;
	_ =	swait.ge @!p0 [sflag:s8], $0x0  }
0x24: {  	s3 =	sadd.s32 $0x88, s3;
	s6 =	simm.s32 @!p1 $0x1082;
	[sflag:s4] =	ssyncset.s32 $0xFFFFF086  }
0x25: {  	[simem:s6], [sflag:s4] =	dma.local [hbm:s3], $0xF7A  }
0x26: {  	[smem:$0x3F96] =	sst s1;
	(tag) =	ssettag s2;
	_ =	strace s9  }
0x27: {  	s1 =	sld [smem:$0x3FA6]  }
0x28: {  	s2 =	sld [smem:$0x3FA7]  }
0x29: {  	s4 =	sld [smem:$0x3FA9]  }
0x2a: {  	p0 =	seq.s32 s5, $0x0;
	s5 =	sld [smem:$0x3FAA]  }
0x2b: {  	s6 =	sld [smem:$0x3FAB]  }
0x2c: {  	s7 =	sld [smem:$0x3FAC]  }
0x2d: {  	s3 =	simm.s32 $0x108;
	s8 =	sld [smem:$0x3FAD]  }
0x2e: {  	s3 =	simm.s32 @!p0 $0x1082;
	s9 =	sld [smem:$0x3FAE]  }
0x2f: {  	lr =	sadd.s32 s0, s3;
	s0 =	sld [smem:$0x3FA5]  }
0x30: {  	s3 =	sld [smem:$0x3FA8]  }
0x31: {  	[smem:$0x3FB1] =	sst s10  }
0x32: {  	s10 =	sld [smem:$0x3FAF];
	_ =	sdelay $0x3  }
0x33: {  	p0 =	seq.s32 s10, $0x1;
	s10 =	sld [smem:$0x3FB1];
	_ =	sdelay $0x3  }
0x34: {  	[smem:$0x3FB1] =	sst s10  }
0x35: {  	s10 =	sld [smem:$0x3FB0];
	_ =	sdelay $0x3  }
0x36: {  	p1 =	seq.s32 s10, $0x1;
	s10 =	sld [smem:$0x3FB1];
	_ =	sdelay $0x3  }
0x37: {  	[smem:$0x3FB1] =	sst s10  }
0x38: {  	s10 =	sld [smem:$0x3FB2]  }
0x39: {  	_ = 	snop;
	(pc) =	sbr.ind lr, $3  }
0x3a: {  	_ = 	snop  }
0x3b: {  	_ = 	snop  }
0x3c: {  	p2 =	seq.s32 s10, $0x1;
	s10 =	sld [smem:$0x3FB1]  }
0x3d: {  	_ =	shalt  }
0x3e: {  	_ =	shalt  }
0x3f: {  	_ =	shalt  }
0x40: {  	_ =	shalt  }
0x41: {  	_ =	shalt  }
0x42: {  	_ =	shalt  }
0x43: {  	_ =	shalt  }
0x44: {  	_ =	shalt  }
0x45: {  	_ =	shalt  }
0x46: {  	_ =	shalt  }
0x47: {  	_ =	shalt  }
0x48: {  	_ =	shalt  }
0x49: {  	_ =	shalt  }
0x4a: {  	_ =	shalt  }
0x4b: {  	_ =	shalt  }
0x4c: {  	_ =	shalt  }
0x4d: {  	_ =	shalt  }
0x4e: {  	_ =	shalt  }
0x4f: {  	_ =	shalt  }
0x50: {  	_ =	shalt  }
0x51: {  	_ =	shalt  }
0x52: {  	_ =	shalt  }
0x53: {  	_ =	shalt  }
0x54: {  	_ =	shalt  }
0x55: {  	_ =	shalt  }
0x56: {  	_ =	shalt  }
0x57: {  	_ =	shalt  }
0x58: {  	_ =	shalt  }
0x59: {  	_ =	shalt  }
0x5a: {  	_ =	shalt  }
0x5b: {  	_ =	shalt  }
0x5c: {  	_ =	shalt  }
0x5d: {  	_ =	shalt  }
0x5e: {  	_ =	shalt  }
0x5f: {  	_ =	shalt  }
0x60: {  	_ =	shalt  }
0x61: {  	_ =	shalt  }
0x62: {  	_ =	shalt  }
0x63: {  	_ =	shalt  }
0x64: {  	_ =	shalt  }
0x65: {  	_ =	shalt  }
0x66: {  	_ =	shalt  }
0x67: {  	_ =	shalt  }
0x68: {  	_ =	shalt  }
0x69: {  	_ =	shalt  }
0x6a: {  	_ =	shalt  }
0x6b: {  	_ =	shalt  }
0x6c: {  	_ =	shalt  }
0x6d: {  	_ =	shalt  }
0x6e: {  	_ =	shalt  }
0x6f: {  	_ =	shalt  }
0x70: {  	_ =	shalt  }
0x71: {  	_ =	shalt  }
0x72: {  	_ =	shalt  }
0x73: {  	_ =	shalt  }
0x74: {  	_ =	shalt  }
0x75: {  	_ =	shalt  }
0x76: {  	_ =	shalt  }
0x77: {  	_ =	shalt  }
0x78: {  	_ =	shalt  }
0x79: {  	_ =	shalt  }
0x7a: {  	_ =	shalt  }
0x7b: {  	_ =	shalt  }
0x7c: {  	_ =	shalt  }
0x7d: {  	_ =	shalt  }
0x7e: {  	_ =	shalt  }
0x7f: {  	_ =	shalt  }
0x80: {  	_ =	shalt  }
0x81: {  	_ =	shalt  }
0x82: {  	_ =	shalt  }
0x83: {  	_ =	shalt  }
0x84: {  	_ =	shalt  }
0x85: {  	_ =	shalt  }
0x86: {  	_ =	shalt  }
0x87: {  	_ =	shalt  }
.Lfunc_end0:
.L_simem_size_0:
called_computation.1_lowered:
.L_overlay_start_0:
0x88: {  	s2 =	sld [smem:$0x3FD9]  }
0x89: {  	s3 =	sld [smem:$0x3FFE];
	_ =	sdelay $0x1  }
0x8a: {  	s1 =	srdreg.scid  }
0x8b: {  	s0 =	sand.u32 $0x1, s1  }
0x8c: {  	s17 =	sshll.u32 s0, $0xA;
	s2 =	sadd.s32 s3, s2  }
0x8d: {  	s2 =	sadd.s32 s2, s17  }
0x8e: {  	[smem:$0x3FBD] =	sst s2  }
0x8f: {  	_ = 	snop  }
0x90: {  	s2 =	sld [smem:$0x3FD0];
	(tm) =	ssettm $0x1  }
0x91: {  	s18 =	sld [smem:$0x3FFB];
	_ =	sdelay $0x3  }
0x92: {  	_ =	strace s18  }
0x93: {  	s3 =	sld [smem:$0x3FFC];
	_ =	sdelay $0x3  }
0x94: {  	_ =	strace s3  }
0x95: {  	s3 =	sld [smem:$0x3FFD];
	_ =	sdelay $0x3  }
0x96: {  	_ =	strace s3  }
0x97: {  	_ =	strace $0x8FFFFFFF  }
0x98: {  	s19 =	sld [smem:$0x3FDB];
	_ =	sdelay $0x1  }
0x99: {  	s4 =	simm.s32 $_scs_section_size  }
0x9a: {  	s5 =	simm.s32 $_size__tile_overlayer_lowered;
	s6 =	simm.s32 $_tile_overlayer_lowered  }
0x9b: {  	s22 =	simm.s32 $0x1BFF;
	s21 =	sshll.u32 s6, $0x1;
	s3 =	sadd.s32 s4, s19  }
0x9c: {  	s7 =	simm.s32 $0x0;
	s20 =	sshll.u32 s5, $0x1;
	s5 =	sadd.s32 s21, s3  }
0x9d: {  	[timem:s7], [sflag:s22] =	dma.local [hbm:s5], s20  }
0x9e: {  	_ =	swait.ge [sflag:s22], s20  }
0x9f: {  	s4 =	ssub.s32 $0x0, s20;
	[sflag:s22] =	ssyncset.done $0x0  }
0xa0: {  	[sflag:s22] =	ssyncadd.s32 s4;
	_ =	sdelay $0x1  }
0xa1: {  	s23 =	simm.s32 $0x1B8B  }
0xa2: {  	_ =	swait.ge [sflag:s23], $0x1  }
0xa3: {  	[sflag:s23] =	ssyncset.done $0x0  }
0xa4: {  	s25 =	simm.s32 $0x1B8E;
	s24 =	sld [smem:$0x3FFE];
	[sflag:s23] =	ssyncadd.s32 $0xFFFFFFFF  }
0xa5: {  	s26 =	simm.s32 $execute0_lowered;
	[smem:$0x3FD2] =	sst s25  }
0xa6: {  	s5 =	sshll.u32 s26, $0x1;
	_ =	strace $0x80000049;
	[dreg:$0x1] =	wrdreg $0xFFFFFFFF  }
0xa7: {  	s28 =	simm.s32 $_size_execute0_lowered;
	s3 =	sadd.s32 s3, s5;
	[dreg:$0x0] =	wrdreg $0x0  }
0xa8: {  	s5 =	sshll.u32 s28, $0x1;
	[dreg:$0x2] =	wrdreg s3  }
0xa9: {  	[dreg:$0x3] =	wrdreg s5  }
0xaa: {  	[dreg:$0x4] =	wrdreg $0xC0  }
0xab: {  	_ =	task [dreg:s7], $0x5FFFF  }
0xac: {  	[dreg:$0x1] =	wrdreg $0xFFFFFFFF  }
0xad: {  	[dreg:$0x0] =	wrdreg $0x60  }
0xae: {  	[dreg:$0x2] =	wrdreg s24  }
0xaf: {  	[dreg:$0x3] =	wrdreg s2  }
0xb0: {  	[dreg:$0x4] =	wrdreg $0x90000  }
0xb1: {  	[dreg:$0x5] =	wrdreg $0x9  }
0xb2: {  	_ =	task.clear_ibuf [dreg:s7], $0x6FFFF;
	_ =	strace $0x90000049  }
0xb3: {  	s29 =	simm.s32 $0x9;
	_ =	strace $0x8000004B  }
0xb4: {  	_ =	swait.ge [sflag:s29], $0x1  }
0xb5: {  	[sflag:s29] =	ssyncadd.s32 $0xFFFFFFFF  }
0xb6: {  	_ =	strace $0x9000004B  }
0xb7: {  	_ =	sfence  }
0xb8: {  	s30 =	sld [smem:$0x0];
	_ =	sdelay $0x2  }
0xb9: {  	s31 =	sshll.u32 s1, $0xD;
	s1 =	sshrl.u32 s1, $0x2  }
0xba: {  	s3 =	sand.u32 $0x4000, s31;
	s1 =	sadd.s32 s1, s30  }
0xbb: {  	s0 =	sor.u32 s3, s0;
	s1 =	sshll.u32 s1, $0x11  }
0xbc: {  	s0 =	sor.u32 s1, s0  }
0xbd: {  	s0 =	sadd.s32 $0x8F2B, s0  }
0xbe: {  	[sflag:s0] =	ssyncadd.remote.s32 $0x1  }
0xbf: {  	_ =	sfence.sel $0xFFFF  }
0xc0: {  	[dreg:$0x0] =	wrdreg $0xFFFFFFFF;
	(pc) =	sbr.abs _section_cstart, $3  }
0xc1: {  	[dreg:$0x1] =	wrdreg $0xFFFFFFFF  }
0xc2: {  	_ =	task.clear_ibuf [dreg:s7], $0x2FFFF;
	_ =	strace $0x9FFFFFFF  }
0xc3: {  	(tm) =	ssettm $0x7FFFFFFF  }
tec
execute0_lowered:
.L_overlay_start_1:
0x0: {  	(tag) =	ssettag $0x1  }
0x1: {  	s5 =	rddreg [dreg:$0x0]  }
0x2: {  	s0 =	srdreg.scid;
	s12 =	rddreg [dreg:$0x1]  }
0x3: {  	s2 =	rddreg [dreg:$0x2];
	s3 =	simm.s32 $0x0;
	s19 =	simm.s32 $0x2800  }
0x4: {  	s20 =	simm.s32 $0x80;
	s7 =	sand.u32 $0x1, s0;
	s0 =	stileid.u32  }
0x5: {  	[smem:$0x7FF] =	sst s3;
	s14 =	sadd.s32 $0x42A400, s5;
	s6 =	smul.u32 $0x50000, s0  }
0x6: {  	s21 =	simm.s32 $0x1;
	s22 =	sadd.s32 $0x128400, s2;
	s16 =	smul.u32 $0x138800, s7  }
0x7: {  	s1 =	sshll.u32 s7, $0x4;
	s8 =	ssub.s32 $0x2, s7;
	s17 =	smul.u32 $0x13C00, s0  }
0x8: {  	s18 =	smul.u32 $0x4F000, s0;
	p0 =	seq.s32 s0, $0xF;
	s4 =	sor.u32 s0, s1  }
0x9: {  	s1 =	rddreg [dreg:$0x3];
	_ =	strace $0x8000004A;
	s9 =	sshrl.u32 s8, $0x1  }
0xa: {  	s22 =	sshrl.u32 @p0 s22, $0x3;
	s13 =	smul.u32 $0x280, s4;
	s4 =	sadd.s32 $0xB800, s5  }
0xb: {  	s6 =	sshrl.u32 s6, $0x2;
	s15 =	ssub.s32 s8, s9;
	s30 =	sadd.s32 s17, s16  }
0xc: {  	s31 =	sshrl.u32 s18, $0x2;
	s16 =	sshrl.u32 s16, $0x3;
	s17 =	simm.s32 $0x2  }
0xd: {  	s18 =	simm.s32 $0x1400;
	s23 =	sadd.s32 s31, s2;
	s15 =	smax.u32 s15, $0x1  }
0xe: {  	s11 =	sadd.s32 s13, s5;
	s5 =	sadd.s32 s6, s2;
	s12 =	sadd.s32 s12, s13  }
0xf: {  	s13 =	sshrl.u32 s30, $0x3;
	s23 =	sshrl.u32 @!p0 s23, $0x3;
	s6 =	sadd.s32 $0x4000, s5  }
0x10: {  	s7 =	sadd.s32 $0x8000, s5;
	s8 =	sadd.s32 $0xC000, s5;
	s9 =	sadd.s32 $0x10000, s5  }
0x11: {  	s10 =	sadd.s32 $0x6800, s11;
	s13 =	sadd.s32 s14, s13;
	s14 =	sadd.s32 s14, s16  }
0x12: {  	v0 =	vimm.f32 $0.0e+00;
	s11 =	sadd.s32 $0x478600, s11;
	s16 =	simm.s32 $0x5000;
	s14 =	sadd.s32 $0x25080, s14  }
.LBB2_1:
0x13: {  	s24 =	simm.s32 $0x0;
	s25 =	simm.s32 $0x200  }
.LBB2_2:
0x14: {  	p1 =	sne.s32 s25, $0xFE00;
	[tilespmem:s24+$0x5070] =	vst v0  }
0x15: {  	[tilespmem:s24+$0x5000] =	vst v0  }
0x16: {  	[tilespmem:s24+$0x5010] =	vst v0  }
.Ltmp0:
0x17: {  	[tilespmem:s24+$0x5020] =	vst v0;
	(pc) =	sbr.rel @p1 .LBB2_2-.Ltmp0, $4  }
0x18: {  	[tilespmem:s24+$0x5030] =	vst v0  }
0x19: {  	[tilespmem:s24+$0x5040] =	vst v0  }
0x1a: {  	[tilespmem:s24+$0x5050] =	vst v0  }
0x1b: {  	[tilespmem:s24+$0x5060] =	vst v0;
	s24 =	sshra.s32 s25, $0x2;
	s25 =	sadd.s32 $0x200, s25  }
0x1c: {  	[tilespmem:s24+$0x5070] =	vst v0  }
0x1d: {  	[tilespmem:s24+$0x5000] =	vst v0  }
0x1e: {  	[tilespmem:s24+$0x5010] =	vst v0  }
0x1f: {  	[tilespmem:s24+$0x5020] =	vst v0  }
0x20: {  	[tilespmem:s24+$0x5030] =	vst v0  }
0x21: {  	[tilespmem:s24+$0x5040] =	vst v0  }
0x22: {  	[tilespmem:s24+$0x5050] =	vst v0  }
0x23: {  	[tilespmem:s24+$0x5060] =	vst v0  }
0x24: {  	[spmem:s5] =	stream.linear.scatter [tilespmem:s16], [sflag:$0x2], $0x4000, $0x38;
	[tilespmem:$0x1D000] =	vst v63  }
0x25: {  	_ =	swait.ge [sflag:s17], $0x4000  }
0x26: {  	[sflag:s17] =	ssyncset.done $0x0  }
0x27: {  	[sflag:s17] =	ssyncadd.s32 $0xFFFFC000  }
0x28: {  	[spmem:s6] =	stream.linear.scatter [tilespmem:s16], [sflag:$0x2], $0x4000, $0x38;
	[tilespmem:$0x1D000] =	vst v63  }
0x29: {  	_ =	swait.ge [sflag:s17], $0x4000  }
0x2a: {  	[sflag:s17] =	ssyncset.done $0x0  }
0x2b: {  	[sflag:s17] =	ssyncadd.s32 $0xFFFFC000  }
0x2c: {  	[spmem:s7] =	stream.linear.scatter [tilespmem:s16], [sflag:$0x2], $0x4000, $0x38;
	[tilespmem:$0x1D000] =	vst v63  }
0x2d: {  	_ =	swait.ge [sflag:s17], $0x4000  }
0x2e: {  	[sflag:s17] =	ssyncset.done $0x0  }
0x2f: {  	[sflag:s17] =	ssyncadd.s32 $0xFFFFC000  }
0x30: {  	[spmem:s8] =	stream.linear.scatter [tilespmem:s16], [sflag:$0x2], $0x4000, $0x38;
	[tilespmem:$0x1D000] =	vst v63  }
0x31: {  	_ =	swait.ge [sflag:s17], $0x4000  }
0x32: {  	[sflag:s17] =	ssyncset.done $0x0  }
0x33: {  	[sflag:s17] =	ssyncadd.s32 $0xFFFFC000  }
0x34: {  	[spmem:s9] =	stream.linear.scatter [tilespmem:s16], [sflag:$0x2], $0x4000, $0x38;
	[tilespmem:$0x1D000] =	vst v63  }
0x35: {  	_ =	swait.ge [sflag:s17], $0x4000  }
0x36: {  	[sflag:s17] =	ssyncset.done $0x0  }
0x37: {  	[sflag:s17] =	ssyncadd.s32 $0xFFFFC000  }
0x38: {  	s31 =	simm.s32 $0x0;
	[bflag:$0x0] =	sbarrier.arrive $0xFFFF  }
0x39: {  	[tilespmem:s31], [sflag:$0x2] =	stream.linear.gather [hbm4b:s10+s31], $0x1400, $0x38;
	[tilespmem:$0x1D000] =	vst v63  }
0x3a: {  	_ =	swait.ge [sflag:s17], $0x1400  }
0x3b: {  	[sflag:s17] =	ssyncset.done $0x0  }
0x3c: {  	[sflag:s17] =	ssyncadd.s32 $0xFFFFEC00  }
0x3d: {  	[tilespmem:s18], [sflag:$0x2] =	stream.linear.gather [hbm4b:s11+s31], $0x1400, $0x38;
	[tilespmem:$0x1D000] =	vst v63  }
0x3e: {  	_ =	swait.ge [sflag:s17], $0x1400  }
0x3f: {  	[sflag:s17] =	ssyncset.done $0x0  }
0x40: {  	[sflag:s17] =	ssyncadd.s32 $0xFFFFEC00  }
0x41: {  	[tilespmem:s19], [sflag:$0x2] =	stream.linear.gather [hbm4b:s12+s31], $0x1400, $0x38;
	[tilespmem:$0x1D000] =	vst v63  }
0x42: {  	_ =	swait.ge [sflag:s17], $0x1400  }
0x43: {  	[sflag:s17] =	ssyncset.done $0x0  }
0x44: {  	s24 =	simm.s32 $0x0;
	[sflag:s17] =	ssyncadd.s32 $0xFFFFEC00  }
0x45: {  	v1 =	vld [tilespmem:s24+$0x1470]  }
0x46: {  	v2 =	vld [tilespmem:s24+$0x1400]  }
0x47: {  	v3 =	vld [tilespmem:s24+$0x70]  }
0x48: {  	v4 =	vld [tilespmem:s24+$0x1410]  }
0x49: {  	v5 =	vld [tilespmem:s24+$0x1420]  }
0x4a: {  	v7 =	vld [tilespmem:s24+$0x1430]  }
0x4b: {  	v10 =	vld [tilespmem:s24+$0x1440];
	v1 =	vmul.u32 $0x2710, v1  }
0x4c: {  	v11 =	vld [tilespmem:s24+$0x1450]  }
0x4d: {  	v12 =	vld [tilespmem:s24+$0x1460];
	v1 =	vadd.s32 v3, v1  }
0x4e: {  	[tilespmem:s24+$0x3C70] =	vst v1;
	v1 =	vld [tilespmem:s24+$0x0]  }
0x4f: {  	v13 =	vld [tilespmem:s24+$0x10]  }
0x50: {  	v8 =	vld [tilespmem:s24+$0x20]  }
0x51: {  	v6 =	vld [tilespmem:s24+$0x30];
	v2 =	vmul.u32 $0x2710, v2  }
0x52: {  	v14 =	vmul.u32 $0x2710, v4;
	v9 =	vmul.u32 $0x2710, v5;
	v3 =	vld [tilespmem:s24+$0x40]  }
0x53: {  	v4 =	vld [tilespmem:s24+$0x50];
	v7 =	vmul.u32 $0x2710, v7;
	v5 =	vmul.u32 $0x2710, v10;
	v1 =	vadd.s32 v1, v2  }
0x54: {  	s25 =	simm.s32 $0x80;
	s26 =	simm.s32 $0x400;
	v10 =	vld [tilespmem:s24+$0x60];
	v2 =	vmul.u32 $0x2710, v11;
	v11 =	vadd.s32 v13, v14;
	[tilespmem:s24+$0x3C00] =	vst v1;
	v1 =	vmul.u32 $0x2710, v12  }
.LBB2_4:
0x55: {  	p1 =	sne.s32 s26, $0x4E00;
	v12 =	vld [tilespmem:s25+$0x1470];
	[tilespmem:s24+$0x3C10] =	vst v11;
	v8 =	vadd.s32 v8, v9  }
0x56: {  	v9 =	vld [tilespmem:s25+$0x1400];
	[tilespmem:s24+$0x3C20] =	vst v8;
	v6 =	vadd.s32 v6, v7  }
0x57: {  	v7 =	vld [tilespmem:s25+$0x70];
	[tilespmem:s24+$0x3C30] =	vst v6;
	v3 =	vadd.s32 v3, v5  }
0x58: {  	v5 =	vld [tilespmem:s25+$0x1410];
	[tilespmem:s24+$0x3C40] =	vst v3;
	v2 =	vadd.s32 v4, v2  }
0x59: {  	v3 =	vld [tilespmem:s25+$0x1420];
	[tilespmem:s24+$0x3C50] =	vst v2;
	v1 =	vadd.s32 v10, v1  }
0x5a: {  	v2 =	vld [tilespmem:s25+$0x1430];
	v4 =	vmul.u32 $0x2710, v12;
	[tilespmem:s24+$0x3C60] =	vst v1;
	s24 =	smov.u32 s25  }
0x5b: {  	v10 =	vmul.u32 $0x2710, v9;
	v1 =	vld [tilespmem:s24+$0x1440]  }
0x5c: {  	v11 =	vld [tilespmem:s24+$0x1450];
	v4 =	vadd.s32 v7, v4  }
0x5d: {  	v12 =	vmul.u32 $0x2710, v5;
	v13 =	vld [tilespmem:s24+$0x1460];
	[tilespmem:s24+$0x3C70] =	vst v4  }
0x5e: {  	v4 =	vld [tilespmem:s24+$0x0];
	v9 =	vmul.u32 $0x2710, v3  }
0x5f: {  	v14 =	vld [tilespmem:s24+$0x10];
	v7 =	vmul.u32 $0x2710, v2  }
.Ltmp1:
0x60: {  	v8 =	vld [tilespmem:s24+$0x20];
	v5 =	vmul.u32 $0x2710, v1;
	(pc) =	sbr.rel @p1 .LBB2_4-.Ltmp1, $4  }
0x61: {  	v6 =	vld [tilespmem:s24+$0x30];
	v2 =	vmul.u32 $0x2710, v11  }
0x62: {  	v3 =	vld [tilespmem:s24+$0x40];
	v1 =	vmul.u32 $0x2710, v13  }
0x63: {  	v10 =	vadd.s32 v4, v10;
	v4 =	vld [tilespmem:s24+$0x50]  }
0x64: {  	s25 =	sshra.s32 s26, $0x2;
	s26 =	sadd.s32 $0x200, s26;
	[tilespmem:s24+$0x3C00] =	vst v10;
	v11 =	vadd.s32 v14, v12;
	v10 =	vld [tilespmem:s24+$0x60]  }
0x65: {  	v12 =	vld [tilespmem:s25+$0x1470];
	[tilespmem:s24+$0x3C10] =	vst v11;
	v8 =	vadd.s32 v8, v9  }
0x66: {  	v55 =	vld [tilespmem:s25+$0x1400];
	[tilespmem:s24+$0x3C20] =	vst v8;
	v6 =	vadd.s32 v6, v7  }
0x67: {  	v56 =	vld [tilespmem:s25+$0x70];
	[tilespmem:s24+$0x3C30] =	vst v6;
	v3 =	vadd.s32 v3, v5  }
0x68: {  	v57 =	vld [tilespmem:s25+$0x1410];
	[tilespmem:s24+$0x3C40] =	vst v3;
	v2 =	vadd.s32 v4, v2  }
0x69: {  	v3 =	vld [tilespmem:s25+$0x1420];
	[tilespmem:s24+$0x3C50] =	vst v2;
	v1 =	vadd.s32 v10, v1  }
0x6a: {  	v2 =	vld [tilespmem:s25+$0x1430];
	[tilespmem:s24+$0x3C60] =	vst v1  }
0x6b: {  	v1 =	vmul.u32 $0x2710, v12;
	v58 =	vld [tilespmem:s25+$0x1440]  }
0x6c: {  	v6 =	vld [tilespmem:s25+$0x1450]  }
0x6d: {  	v59 =	vld [tilespmem:s25+$0x1460];
	v1 =	vadd.s32 v56, v1  }
0x6e: {  	[tilespmem:s25+$0x3C70] =	vst v1;
	v1 =	vld [tilespmem:s25+$0x0]  }
0x6f: {  	v8 =	vld [tilespmem:s25+$0x10]  }
0x70: {  	v60 =	vld [tilespmem:s25+$0x20]  }
0x71: {  	v9 =	vmul.u32 $0x2710, v55;
	v11 =	vld [tilespmem:s25+$0x30]  }
0x72: {  	v61 =	vld [tilespmem:s25+$0x40];
	v5 =	vmul.u32 $0x2710, v57  }
0x73: {  	v62 =	vld [tilespmem:s25+$0x50];
	v3 =	vmul.u32 $0x2710, v3;
	v1 =	vadd.s32 v1, v9  }
0x74: {  	v63 =	vld [tilespmem:s25+$0x60];
	[tilespmem:s25+$0x3C00] =	vst v1;
	v1 =	vmul.u32 $0x2710, v2;
	v2 =	vadd.s32 v8, v5  }
0x75: {  	v4 =	vmul.u32 $0x2710, v58;
	[tilespmem:s25+$0x3C10] =	vst v2;
	v2 =	vadd.s32 v60, v3  }
0x76: {  	v3 =	vmul.u32 $0x2710, v6;
	[tilespmem:s25+$0x3C20] =	vst v2;
	v1 =	vadd.s32 v11, v1  }
0x77: {  	v2 =	vmul.u32 $0x2710, v59;
	[tilespmem:s25+$0x3C30] =	vst v1;
	v1 =	vadd.s32 v61, v4  }
0x78: {  	[tilespmem:s25+$0x3C40] =	vst v1;
	v1 =	vadd.s32 v62, v3  }
0x79: {  	[tilespmem:s25+$0x3C50] =	vst v1;
	v1 =	vadd.s32 v63, v2  }
0x7a: {  	s30 =	simm.s32 $0x3C00;
	[tilespmem:s25+$0x3C60] =	vst v1  }
0x7b: {  	[tilespmem:s16], [sflag:$0x1] =	stream.indirect.gather [hbm4b:s4+s20], $0x80, s30, s20, $0xb8;
	[tilespmem:$0x1D000] =	vst v63  }
0x7c: {  	_ =	swait.ge [sflag:s21], $0x4000  }
0x7d: {  	[sflag:s21] =	ssyncset.done $0x0  }
0x7e: {  	s31 =	simm.s32 $0x2800;
	[sflag:s21] =	ssyncadd.s32 $0xFFFFC000  }
0x7f: {  	[spmem:s2] =	stream.indirect.scatter.add.f32 [tilespmem:s16], [sflag:$0x2], $0x80, s31, s20, $0xb8;
	[tilespmem:$0x1D000] =	vst v63  }
0x80: {  	_ =	swait.ge [sflag:s17], $0x4000  }
0x81: {  	s24 =	simm.s32 $0x80;
	s25 =	simm.s32 $0x400;
	[sflag:s17] =	ssyncset.done $0x0  }
.LBB2_6:
0x82: {  	s26 =	sadd.s32 $0x3C00, s24  }
0x83: {  	[sflag:s17] =	ssyncadd.s32 $0xFFFFC000;
	s28 =	smov.u32 s25;
	s29 =	sadd.s32 $0x200, s25  }
0x84: {  	[tilespmem:s16], [sflag:$0x1] =	stream.indirect.gather [hbm4b:s4+s20], $0x80, s26, s20, $0xb8;
	[tilespmem:$0x1D000] =	vst v63  }
0x85: {  	p1 =	sne.s32 s25, $0x4E00;
	_ =	swait.ge [sflag:s21], $0x4000  }
.Ltmp2:
0x86: {  	[sflag:s21] =	ssyncset.done $0x0;
	(pc) =	sbr.rel @p1 .LBB2_6-.Ltmp2, $4  }
0x87: {  	s24 =	sadd.s32 $0x2800, s24;
	[sflag:s21] =	ssyncadd.s32 $0xFFFFC000  }
0x88: {  	[spmem:s2] =	stream.indirect.scatter.add.f32 [tilespmem:s16], [sflag:$0x2], $0x80, s24, s20, $0xb8;
	[tilespmem:$0x1D000] =	vst v63  }
0x89: {  	_ =	swait.ge [sflag:s17], $0x4000  }
0x8a: {  	s25 =	smov.u32 s29;
	s24 =	sshra.s32 s28, $0x2;
	[sflag:s17] =	ssyncset.done $0x0  }
0x8b: {  	s25 =	sadd.s32 $0x3C00, s24;
	[sflag:s17] =	ssyncadd.s32 $0xFFFFC000  }
0x8c: {  	[tilespmem:s16], [sflag:$0x1] =	stream.indirect.gather [hbm4b:s4+s20], $0x80, s25, s20, $0xb8;
	[tilespmem:$0x1D000] =	vst v63  }
0x8d: {  	_ =	swait.ge [sflag:s21], $0x4000  }
0x8e: {  	[sflag:s21] =	ssyncset.done $0x0  }
0x8f: {  	s31 =	sadd.s32 $0x2800, s24;
	[sflag:s21] =	ssyncadd.s32 $0xFFFFC000  }
0x90: {  	[spmem:s2] =	stream.indirect.scatter.add.f32 [tilespmem:s16], [sflag:$0x2], $0x80, s31, s20, $0xb8;
	[tilespmem:$0x1D000] =	vst v63  }
0x91: {  	_ =	swait.ge [sflag:s17], $0x4000  }
0x92: {  	[sflag:s17] =	ssyncset.done $0x0  }
0x93: {  	[sflag:s17] =	ssyncadd.s32 $0xFFFFC000  }
0x94: {  	s24 =	simm.s32 @p0 $0x1FC2;
	[bflag:$0x0] =	sbarrier.arrive $0xFFFF  }
0x95: {  	[hbm:s14], [sflag:s24] =	dma.local @p0 [spmem:s22], $0x2080  }
0x96: {  	s24 =	simm.s32 @p0 $0x2  }
0x97: {  	_ =	swait.ge @p0 [sflag:s24], $0x2080  }
0x98: {  	s3 =	sadd.s32 $0x1, s3;
	s25 =	sshll.u32 @!p0 s0, $0x6;
	[sflag:s24] =	ssyncset.done @p0 $0x0  }
0x99: {  	p1 =	sne.s32 s3, s15;
	[sflag:s24] =	ssyncadd.s32 @p0 $0xFFFFDF80;
	s24 =	sor.u32 @!p0 $0x1C02, s25  }
0x9a: {  	[hbm:s13], [sflag:s24] =	dma.local @!p0 [spmem:s23], $0x2780  }
.Ltmp3:
0x9b: {  	_ = 	snop;
	(pc) =	sbr.rel @p1 .LBB2_1-.Ltmp3, $4  }
0x9c: {  	s24 =	simm.s32 @!p0 $0x2  }
0x9d: {  	_ =	swait.ge @!p0 [sflag:s24], $0x2780  }
0x9e: {  	[sflag:s24] =	ssyncset.done @!p0 $0x0  }
0x9f: {  	[sflag:s24] =	ssyncadd.s32 @!p0 $0xFFFFD880  }
0xa0: {  	_ =	sfence.sel $0x180000  }
0xa1: {  	[bflag:$0x0] =	sbarrier.arrive $0xFFFF  }
0xa2: {  	p0 =	sne.s32 s0, $0x0;
	_ =	strace $0x9000004A  }
0xa3: {  	s0 =	sadd.s32 @!p0 $0x100000, s1;
	[bflag:$0x2] =	sbarrier.arrive $0xFFFF  }
0xa4: {  	[sflag:s0] =	ssyncadd.tile.s32 @!p0 $0x1;
	_ =	shalt  }
.Lfunc_end2:
_tile_overlayer_lowered:
.L_overlay_start_2:
0xa5: {  	(tag) =	ssettag $0x2  }
0xa6: {  	s0 =	rddreg [dreg:$0x0];
	s2 =	stileid.u32  }
0xa7: {  	s1 =	rddreg [dreg:$0x1];
	p0 =	sne.s32 s2, $0x0  }
0xa8: {  	s3 =	rddreg [dreg:$0x2];
	[bflag:$0x3] =	sbarrier.arrive $0xFFFF;
	s2 =	simm.s32 @!p0 $0x1C02  }
0xa9: {  	[timem:s3], [sflag:s2] =	dma.local @!p0 [hbm:s0], s1  }
0xaa: {  	s0 =	simm.s32 @!p0 $0x2  }
0xab: {  	_ =	swait.ge @!p0 [sflag:s0], s1  }
0xac: {  	s1 =	ssub.s32 @!p0 $0x0, s1;
	[sflag:s0] =	ssyncset.done @!p0 $0x0  }
0xad: {  	[sflag:s0] =	ssyncadd.s32 @!p0 s1  }
0xae: {  	[bflag:$0x3] =	sbarrier.arrive $0xFFFF  }
0xaf: {  	_ =	shalt  }

// kernel: kernel.8.cloned.1.call-start
scs
__scs_entry_jumppad:
0x0: {  	(pc) =	sbr.rel $0x88, $3  }
0x1: {  	(tag) =	ssettag $0x0;
	lr =	simm.s32 $0x1  }
0x2: {  	[smem:$0x3F96] =	sst lr;
	_ =	strace $0xD0000000  }
0x3: {  	_ = 	snop  }
0x4: {  	_ = 	snop  }
0x5: {  	_ = 	snop  }
0x6: {  	_ = 	snop  }
0x7: {  	_ = 	snop  }
__scs_overlays_trampoline_lowered:
0x8: {  	[smem:$0x3FA5] =	sst s0  }
0x9: {  	[smem:$0x3FA6] =	sst s1  }
0xa: {  	[smem:$0x3FA7] =	sst s2  }
0xb: {  	[smem:$0x3FA8] =	sst s3  }
0xc: {  	[smem:$0x3FA9] =	sst s4  }
0xd: {  	[smem:$0x3FAA] =	sst s5  }
0xe: {  	[smem:$0x3FAB] =	sst s6  }
0xf: {  	[smem:$0x3FAC] =	sst s7  }
0x10: {  	[smem:$0x3FAD] =	sst s8  }
0x11: {  	[smem:$0x3FAE] =	sst s9;
	s0 =	simm.s32 @!p0 $0x0  }
0x12: {  	s1 =	sld [smem:$0x3F94];
	s0 =	simm.s32 @p0 $0x1  }
0x13: {  	[smem:$0x3FAF] =	sst s0;
	s0 =	simm.s32 @!p1 $0x0  }
0x14: {  	s2 =	sld [smem:$0x3F93];
	s0 =	simm.s32 @p1 $0x1  }
0x15: {  	[smem:$0x3FB0] =	sst s0;
	s0 =	simm.s32 @!p2 $0x0  }
0x16: {  	s3 =	sld [smem:$0x3FDB];
	s0 =	simm.s32 @p2 $0x1  }
0x17: {  	s4 =	simm.s32 $0x1BF5;
	[smem:$0x3FB2] =	sst s0  }
0x18: {  	s0 =	sld [smem:$0x3F95];
	_ =	swait.ge [sflag:s4], $0x0  }
0x19: {  	s7 =	sld [smem:$0x3F96]  }
0x1a: {  	s8 =	sadd.s32 $0xFFFFE003, lr  }
0x1b: {  	s9 =	sadd.s32 $0xFFFFFEF7, lr;
	s5 =	simm.s32 $0xFFFFFFFF;
	p2 =	slt.u32 s8, $0xFFFFF086  }
0x1c: {  	p1 =	slt.u32 s9, $0xF7A;
	s5 =	simm.s32 @!p2 $0x0  }
0x1d: {  	s5 =	simm.s32 @p1 $0x1;
	p0 =	seq.s32 s7, s2  }
0x1e: {  	s7 =	smul.u32 @!p0 $0xF7A, s2;
	p2 =	seq.s32 @!p0 s5, $0x0  }
0x1f: {  	s9 =	smul.u32 $0xF7A, s1;
	s8 =	simm.s32 @!p0 $0x1BF5;
	p2 =	por !p2, p0  }
0x20: {  	[sflag:s8] =	ssyncset.s32 @!p0 $0xFFFFF086;
	s6 =	sadd.s32 @!p0 s3, s7;
	s7 =	simm.s32 @!p0 $0x108  }
0x21: {  	s3 =	sadd.s32 s3, s9;
	s6 =	sadd.s32 @!p0 $0x88, s6;
	s7 =	simm.s32 @p2 $0x1082  }
0x22: {  	[simem:s7], [sflag:s8] =	dma.local @!p0 [hbm:s6], $0xF7A  }
0x23: {  	s9 =	sor.u32 $0xD0000000, s2;
	s6 =	simm.s32 $0x108;
	_ =	swait.ge @!p0 [sflag:s8], $0x0  }
0x24: {  	s3 =	sadd.s32 $0x88, s3;
	s6 =	simm.s32 @!p1 $0x1082;
	[sflag:s4] =	ssyncset.s32 $0xFFFFF086  }
0x25: {  	[simem:s6], [sflag:s4] =	dma.local [hbm:s3], $0xF7A  }
0x26: {  	[smem:$0x3F96] =	sst s1;
	(tag) =	ssettag s2;
	_ =	strace s9  }
0x27: {  	s1 =	sld [smem:$0x3FA6]  }
0x28: {  	s2 =	sld [smem:$0x3FA7]  }
0x29: {  	s4 =	sld [smem:$0x3FA9]  }
0x2a: {  	p0 =	seq.s32 s5, $0x0;
	s5 =	sld [smem:$0x3FAA]  }
0x2b: {  	s6 =	sld [smem:$0x3FAB]  }
0x2c: {  	s7 =	sld [smem:$0x3FAC]  }
0x2d: {  	s3 =	simm.s32 $0x108;
	s8 =	sld [smem:$0x3FAD]  }
0x2e: {  	s3 =	simm.s32 @!p0 $0x1082;
	s9 =	sld [smem:$0x3FAE]  }
0x2f: {  	lr =	sadd.s32 s0, s3;
	s0 =	sld [smem:$0x3FA5]  }
0x30: {  	s3 =	sld [smem:$0x3FA8]  }
0x31: {  	[smem:$0x3FB1] =	sst s10  }
0x32: {  	s10 =	sld [smem:$0x3FAF];
	_ =	sdelay $0x3  }
0x33: {  	p0 =	seq.s32 s10, $0x1;
	s10 =	sld [smem:$0x3FB1];
	_ =	sdelay $0x3  }
0x34: {  	[smem:$0x3FB1] =	sst s10  }
0x35: {  	s10 =	sld [smem:$0x3FB0];
	_ =	sdelay $0x3  }
0x36: {  	p1 =	seq.s32 s10, $0x1;
	s10 =	sld [smem:$0x3FB1];
	_ =	sdelay $0x3  }
0x37: {  	[smem:$0x3FB1] =	sst s10  }
0x38: {  	s10 =	sld [smem:$0x3FB2]  }
0x39: {  	_ = 	snop;
	(pc) =	sbr.ind lr, $3  }
0x3a: {  	_ = 	snop  }
0x3b: {  	_ = 	snop  }
0x3c: {  	p2 =	seq.s32 s10, $0x1;
	s10 =	sld [smem:$0x3FB1]  }
0x3d: {  	_ =	shalt  }
0x3e: {  	_ =	shalt  }
0x3f: {  	_ =	shalt  }
0x40: {  	_ =	shalt  }
0x41: {  	_ =	shalt  }
0x42: {  	_ =	shalt  }
0x43: {  	_ =	shalt  }
0x44: {  	_ =	shalt  }
0x45: {  	_ =	shalt  }
0x46: {  	_ =	shalt  }
0x47: {  	_ =	shalt  }
0x48: {  	_ =	shalt  }
0x49: {  	_ =	shalt  }
0x4a: {  	_ =	shalt  }
0x4b: {  	_ =	shalt  }
0x4c: {  	_ =	shalt  }
0x4d: {  	_ =	shalt  }
0x4e: {  	_ =	shalt  }
0x4f: {  	_ =	shalt  }
0x50: {  	_ =	shalt  }
0x51: {  	_ =	shalt  }
0x52: {  	_ =	shalt  }
0x53: {  	_ =	shalt  }
0x54: {  	_ =	shalt  }
0x55: {  	_ =	shalt  }
0x56: {  	_ =	shalt  }
0x57: {  	_ =	shalt  }
0x58: {  	_ =	shalt  }
0x59: {  	_ =	shalt  }
0x5a: {  	_ =	shalt  }
0x5b: {  	_ =	shalt  }
0x5c: {  	_ =	shalt  }
0x5d: {  	_ =	shalt  }
0x5e: {  	_ =	shalt  }
0x5f: {  	_ =	shalt  }
0x60: {  	_ =	shalt  }
0x61: {  	_ =	shalt  }
0x62: {  	_ =	shalt  }
0x63: {  	_ =	shalt  }
0x64: {  	_ =	shalt  }
0x65: {  	_ =	shalt  }
0x66: {  	_ =	shalt  }
0x67: {  	_ =	shalt  }
0x68: {  	_ =	shalt  }
0x69: {  	_ =	shalt  }
0x6a: {  	_ =	shalt  }
0x6b: {  	_ =	shalt  }
0x6c: {  	_ =	shalt  }
0x6d: {  	_ =	shalt  }
0x6e: {  	_ =	shalt  }
0x6f: {  	_ =	shalt  }
0x70: {  	_ =	shalt  }
0x71: {  	_ =	shalt  }
0x72: {  	_ =	shalt  }
0x73: {  	_ =	shalt  }
0x74: {  	_ =	shalt  }
0x75: {  	_ =	shalt  }
0x76: {  	_ =	shalt  }
0x77: {  	_ =	shalt  }
0x78: {  	_ =	shalt  }
0x79: {  	_ =	shalt  }
0x7a: {  	_ =	shalt  }
0x7b: {  	_ =	shalt  }
0x7c: {  	_ =	shalt  }
0x7d: {  	_ =	shalt  }
0x7e: {  	_ =	shalt  }
0x7f: {  	_ =	shalt  }
0x80: {  	_ =	shalt  }
0x81: {  	_ =	shalt  }
0x82: {  	_ =	shalt  }
0x83: {  	_ =	shalt  }
0x84: {  	_ =	shalt  }
0x85: {  	_ =	shalt  }
0x86: {  	_ =	shalt  }
0x87: {  	_ =	shalt  }
.Lfunc_end0:
.L_simem_size_0:
called_computation_lowered:
.L_overlay_start_0:
0x88: {  	s2 =	sld [smem:$0x3FD9]  }
0x89: {  	s3 =	sld [smem:$0x3FFE];
	_ =	sdelay $0x1  }
0x8a: {  	s1 =	srdreg.scid  }
0x8b: {  	s0 =	sand.u32 $0x1, s1  }
0x8c: {  	s17 =	sshll.u32 s0, $0xA;
	s2 =	sadd.s32 s3, s2  }
0x8d: {  	s2 =	sadd.s32 s2, s17  }
0x8e: {  	[smem:$0x3FBD] =	sst s2  }
0x8f: {  	_ = 	snop  }
0x90: {  	s2 =	sld [smem:$0x3FD0];
	(tm) =	ssettm $0x1  }
0x91: {  	s18 =	sld [smem:$0x3FFB];
	_ =	sdelay $0x3  }
0x92: {  	_ =	strace s18  }
0x93: {  	s3 =	sld [smem:$0x3FFC];
	_ =	sdelay $0x3  }
0x94: {  	_ =	strace s3  }
0x95: {  	s3 =	sld [smem:$0x3FFD];
	_ =	sdelay $0x3  }
0x96: {  	_ =	strace s3  }
0x97: {  	_ =	strace $0x8FFFFFFF  }
0x98: {  	s19 =	sld [smem:$0x3FDB];
	_ =	sdelay $0x1  }
0x99: {  	s4 =	simm.s32 $_scs_section_size  }
0x9a: {  	s5 =	simm.s32 $_size__tile_overlayer_lowered;
	s6 =	simm.s32 $_tile_overlayer_lowered  }
0x9b: {  	s22 =	simm.s32 $0x1BFF;
	s21 =	sshll.u32 s6, $0x1;
	s3 =	sadd.s32 s4, s19  }
0x9c: {  	s7 =	simm.s32 $0x0;
	s20 =	sshll.u32 s5, $0x1;
	s5 =	sadd.s32 s21, s3  }
0x9d: {  	[timem:s7], [sflag:s22] =	dma.local [hbm:s5], s20  }
0x9e: {  	_ =	swait.ge [sflag:s22], s20  }
0x9f: {  	s4 =	ssub.s32 $0x0, s20;
	[sflag:s22] =	ssyncset.done $0x0  }
0xa0: {  	[sflag:s22] =	ssyncadd.s32 s4;
	_ =	sdelay $0x1  }
0xa1: {  	s23 =	simm.s32 $0x1B8B  }
0xa2: {  	_ =	swait.ge [sflag:s23], $0x1  }
0xa3: {  	[sflag:s23] =	ssyncset.done $0x0  }
0xa4: {  	s25 =	simm.s32 $0x1B8E;
	s24 =	sld [smem:$0x3FFE];
	[sflag:s23] =	ssyncadd.s32 $0xFFFFFFFF  }
0xa5: {  	s26 =	simm.s32 $execute0_lowered;
	[smem:$0x3FD2] =	sst s25  }
0xa6: {  	s5 =	sshll.u32 s26, $0x1;
	_ =	strace $0x80000046;
	[dreg:$0x1] =	wrdreg $0xFFFFFFFF  }
0xa7: {  	s28 =	simm.s32 $_size_execute0_lowered;
	s3 =	sadd.s32 s3, s5;
	[dreg:$0x0] =	wrdreg $0x0  }
0xa8: {  	s5 =	sshll.u32 s28, $0x1;
	[dreg:$0x2] =	wrdreg s3  }
0xa9: {  	[dreg:$0x3] =	wrdreg s5  }
0xaa: {  	[dreg:$0x4] =	wrdreg $0xC0  }
0xab: {  	_ =	task [dreg:s7], $0x5FFFF  }
0xac: {  	[dreg:$0x1] =	wrdreg $0xFFFFFFFF  }
0xad: {  	[dreg:$0x0] =	wrdreg $0x60  }
0xae: {  	[dreg:$0x2] =	wrdreg s24  }
0xaf: {  	[dreg:$0x3] =	wrdreg s2  }
0xb0: {  	[dreg:$0x4] =	wrdreg $0x90000  }
0xb1: {  	[dreg:$0x5] =	wrdreg $0x9  }
0xb2: {  	_ =	task.clear_ibuf [dreg:s7], $0x6FFFF;
	_ =	strace $0x90000046  }
0xb3: {  	s29 =	simm.s32 $0x9;
	_ =	strace $0x80000048  }
0xb4: {  	_ =	swait.ge [sflag:s29], $0x1  }
0xb5: {  	[sflag:s29] =	ssyncadd.s32 $0xFFFFFFFF  }
0xb6: {  	_ =	strace $0x90000048  }
0xb7: {  	_ =	sfence  }
0xb8: {  	s30 =	sld [smem:$0x0];
	_ =	sdelay $0x2  }
0xb9: {  	s31 =	sshll.u32 s1, $0xD;
	s1 =	sshrl.u32 s1, $0x2  }
0xba: {  	s3 =	sand.u32 $0x4000, s31;
	s1 =	sadd.s32 s1, s30  }
0xbb: {  	s0 =	sor.u32 s3, s0;
	s1 =	sshll.u32 s1, $0x11  }
0xbc: {  	s0 =	sor.u32 s1, s0  }
0xbd: {  	s0 =	sadd.s32 $0x8F2B, s0  }
0xbe: {  	[sflag:s0] =	ssyncadd.remote.s32 $0x1  }
0xbf: {  	_ =	sfence.sel $0xFFFF  }
0xc0: {  	[dreg:$0x0] =	wrdreg $0xFFFFFFFF;
	(pc) =	sbr.abs _section_cstart, $3  }
0xc1: {  	[dreg:$0x1] =	wrdreg $0xFFFFFFFF  }
0xc2: {  	_ =	task.clear_ibuf [dreg:s7], $0x2FFFF;
	_ =	strace $0x9FFFFFFF  }
0xc3: {  	(tm) =	ssettm $0x7FFFFFFF  }
tec
execute0_lowered:
.L_overlay_start_1:
0x0: {  	(tag) =	ssettag $0x1  }
0x1: {  	s5 =	rddreg [dreg:$0x0]  }
0x2: {  	s0 =	srdreg.scid;
	s12 =	rddreg [dreg:$0x1]  }
0x3: {  	s2 =	rddreg [dreg:$0x2];
	s3 =	simm.s32 $0x0;
	s19 =	simm.s32 $0x2800  }
0x4: {  	s20 =	simm.s32 $0x80;
	s7 =	sand.u32 $0x1, s0;
	s0 =	stileid.u32  }
0x5: {  	[smem:$0x7FF] =	sst s3;
	s14 =	sadd.s32 $0x42A400, s5;
	s6 =	smul.u32 $0x50000, s0  }
0x6: {  	s21 =	simm.s32 $0x1;
	s22 =	sadd.s32 $0x128400, s2;
	s16 =	smul.u32 $0x138800, s7  }
0x7: {  	s1 =	sshll.u32 s7, $0x4;
	s8 =	ssub.s32 $0x2, s7;
	s17 =	smul.u32 $0x13C00, s0  }
0x8: {  	s18 =	smul.u32 $0x4F000, s0;
	p0 =	seq.s32 s0, $0xF;
	s4 =	sor.u32 s0, s1  }
0x9: {  	s1 =	rddreg [dreg:$0x3];
	_ =	strace $0x80000047;
	s9 =	sshrl.u32 s8, $0x1  }
0xa: {  	s22 =	sshrl.u32 @p0 s22, $0x3;
	s13 =	smul.u32 $0x280, s4;
	s4 =	sadd.s32 $0xB800, s5  }
0xb: {  	s6 =	sshrl.u32 s6, $0x2;
	s15 =	ssub.s32 s8, s9;
	s30 =	sadd.s32 s17, s16  }
0xc: {  	s31 =	sshrl.u32 s18, $0x2;
	s16 =	sshrl.u32 s16, $0x3;
	s17 =	simm.s32 $0x2  }
0xd: {  	s18 =	simm.s32 $0x1400;
	s23 =	sadd.s32 s31, s2;
	s15 =	smax.u32 s15, $0x1  }
0xe: {  	s11 =	sadd.s32 s13, s5;
	s5 =	sadd.s32 s6, s2;
	s12 =	sadd.s32 s12, s13  }
0xf: {  	s13 =	sshrl.u32 s30, $0x3;
	s23 =	sshrl.u32 @!p0 s23, $0x3;
	s6 =	sadd.s32 $0x4000, s5  }
0x10: {  	s7 =	sadd.s32 $0x8000, s5;
	s8 =	sadd.s32 $0xC000, s5;
	s9 =	sadd.s32 $0x10000, s5  }
0x11: {  	s10 =	sadd.s32 $0x6800, s11;
	s13 =	sadd.s32 s14, s13;
	s14 =	sadd.s32 s14, s16  }
0x12: {  	v0 =	vimm.f32 $0.0e+00;
	s11 =	sadd.s32 $0x1800, s11;
	s16 =	simm.s32 $0x5000;
	s14 =	sadd.s32 $0x25080, s14  }
.LBB2_1:
0x13: {  	s24 =	simm.s32 $0x0;
	s25 =	simm.s32 $0x200  }
.LBB2_2:
0x14: {  	p1 =	sne.s32 s25, $0xFE00;
	[tilespmem:s24+$0x5070] =	vst v0  }
0x15: {  	[tilespmem:s24+$0x5000] =	vst v0  }
0x16: {  	[tilespmem:s24+$0x5010] =	vst v0  }
.Ltmp0:
0x17: {  	[tilespmem:s24+$0x5020] =	vst v0;
	(pc) =	sbr.rel @p1 .LBB2_2-.Ltmp0, $4  }
0x18: {  	[tilespmem:s24+$0x5030] =	vst v0  }
0x19: {  	[tilespmem:s24+$0x5040] =	vst v0  }
0x1a: {  	[tilespmem:s24+$0x5050] =	vst v0  }
0x1b: {  	[tilespmem:s24+$0x5060] =	vst v0;
	s24 =	sshra.s32 s25, $0x2;
	s25 =	sadd.s32 $0x200, s25  }
0x1c: {  	[tilespmem:s24+$0x5070] =	vst v0  }
0x1d: {  	[tilespmem:s24+$0x5000] =	vst v0  }
0x1e: {  	[tilespmem:s24+$0x5010] =	vst v0  }
0x1f: {  	[tilespmem:s24+$0x5020] =	vst v0  }
0x20: {  	[tilespmem:s24+$0x5030] =	vst v0  }
0x21: {  	[tilespmem:s24+$0x5040] =	vst v0  }
0x22: {  	[tilespmem:s24+$0x5050] =	vst v0  }
0x23: {  	[tilespmem:s24+$0x5060] =	vst v0  }
0x24: {  	[spmem:s5] =	stream.linear.scatter [tilespmem:s16], [sflag:$0x2], $0x4000, $0x38;
	[tilespmem:$0x1D000] =	vst v63  }
0x25: {  	_ =	swait.ge [sflag:s17], $0x4000  }
0x26: {  	[sflag:s17] =	ssyncset.done $0x0  }
0x27: {  	[sflag:s17] =	ssyncadd.s32 $0xFFFFC000  }
0x28: {  	[spmem:s6] =	stream.linear.scatter [tilespmem:s16], [sflag:$0x2], $0x4000, $0x38;
	[tilespmem:$0x1D000] =	vst v63  }
0x29: {  	_ =	swait.ge [sflag:s17], $0x4000  }
0x2a: {  	[sflag:s17] =	ssyncset.done $0x0  }
0x2b: {  	[sflag:s17] =	ssyncadd.s32 $0xFFFFC000  }
0x2c: {  	[spmem:s7] =	stream.linear.scatter [tilespmem:s16], [sflag:$0x2], $0x4000, $0x38;
	[tilespmem:$0x1D000] =	vst v63  }
0x2d: {  	_ =	swait.ge [sflag:s17], $0x4000  }
0x2e: {  	[sflag:s17] =	ssyncset.done $0x0  }
0x2f: {  	[sflag:s17] =	ssyncadd.s32 $0xFFFFC000  }
0x30: {  	[spmem:s8] =	stream.linear.scatter [tilespmem:s16], [sflag:$0x2], $0x4000, $0x38;
	[tilespmem:$0x1D000] =	vst v63  }
0x31: {  	_ =	swait.ge [sflag:s17], $0x4000  }
0x32: {  	[sflag:s17] =	ssyncset.done $0x0  }
0x33: {  	[sflag:s17] =	ssyncadd.s32 $0xFFFFC000  }
0x34: {  	[spmem:s9] =	stream.linear.scatter [tilespmem:s16], [sflag:$0x2], $0x4000, $0x38;
	[tilespmem:$0x1D000] =	vst v63  }
0x35: {  	_ =	swait.ge [sflag:s17], $0x4000  }
0x36: {  	[sflag:s17] =	ssyncset.done $0x0  }
0x37: {  	[sflag:s17] =	ssyncadd.s32 $0xFFFFC000  }
0x38: {  	s31 =	simm.s32 $0x0;
	[bflag:$0x0] =	sbarrier.arrive $0xFFFF  }
0x39: {  	[tilespmem:s31], [sflag:$0x2] =	stream.linear.gather [hbm4b:s10+s31], $0x1400, $0x38;
	[tilespmem:$0x1D000] =	vst v63  }
0x3a: {  	_ =	swait.ge [sflag:s17], $0x1400  }
0x3b: {  	[sflag:s17] =	ssyncset.done $0x0  }
0x3c: {  	[sflag:s17] =	ssyncadd.s32 $0xFFFFEC00  }
0x3d: {  	[tilespmem:s18], [sflag:$0x2] =	stream.linear.gather [hbm4b:s11+s31], $0x1400, $0x38;
	[tilespmem:$0x1D000] =	vst v63  }
0x3e: {  	_ =	swait.ge [sflag:s17], $0x1400  }
0x3f: {  	[sflag:s17] =	ssyncset.done $0x0  }
0x40: {  	[sflag:s17] =	ssyncadd.s32 $0xFFFFEC00  }
0x41: {  	[tilespmem:s19], [sflag:$0x2] =	stream.linear.gather [hbm4b:s12+s31], $0x1400, $0x38;
	[tilespmem:$0x1D000] =	vst v63  }
0x42: {  	_ =	swait.ge [sflag:s17], $0x1400  }
0x43: {  	[sflag:s17] =	ssyncset.done $0x0  }
0x44: {  	s24 =	simm.s32 $0x0;
	[sflag:s17] =	ssyncadd.s32 $0xFFFFEC00  }
0x45: {  	v1 =	vld [tilespmem:s24+$0x1470]  }
0x46: {  	v2 =	vld [tilespmem:s24+$0x1400]  }
0x47: {  	v3 =	vld [tilespmem:s24+$0x70]  }
0x48: {  	v4 =	vld [tilespmem:s24+$0x1410]  }
0x49: {  	v5 =	vld [tilespmem:s24+$0x1420]  }
0x4a: {  	v7 =	vld [tilespmem:s24+$0x1430]  }
0x4b: {  	v10 =	vld [tilespmem:s24+$0x1440];
	v1 =	vmul.u32 $0x2710, v1  }
0x4c: {  	v11 =	vld [tilespmem:s24+$0x1450]  }
0x4d: {  	v12 =	vld [tilespmem:s24+$0x1460];
	v1 =	vadd.s32 v3, v1  }
0x4e: {  	[tilespmem:s24+$0x3C70] =	vst v1;
	v1 =	vld [tilespmem:s24+$0x0]  }
0x4f: {  	v13 =	vld [tilespmem:s24+$0x10]  }
0x50: {  	v8 =	vld [tilespmem:s24+$0x20]  }
0x51: {  	v6 =	vld [tilespmem:s24+$0x30];
	v2 =	vmul.u32 $0x2710, v2  }
0x52: {  	v14 =	vmul.u32 $0x2710, v4;
	v9 =	vmul.u32 $0x2710, v5;
	v3 =	vld [tilespmem:s24+$0x40]  }
0x53: {  	v4 =	vld [tilespmem:s24+$0x50];
	v7 =	vmul.u32 $0x2710, v7;
	v5 =	vmul.u32 $0x2710, v10;
	v1 =	vadd.s32 v1, v2  }
0x54: {  	s25 =	simm.s32 $0x80;
	s26 =	simm.s32 $0x400;
	v10 =	vld [tilespmem:s24+$0x60];
	v2 =	vmul.u32 $0x2710, v11;
	v11 =	vadd.s32 v13, v14;
	[tilespmem:s24+$0x3C00] =	vst v1;
	v1 =	vmul.u32 $0x2710, v12  }
.LBB2_4:
0x55: {  	p1 =	sne.s32 s26, $0x4E00;
	v12 =	vld [tilespmem:s25+$0x1470];
	[tilespmem:s24+$0x3C10] =	vst v11;
	v8 =	vadd.s32 v8, v9  }
0x56: {  	v9 =	vld [tilespmem:s25+$0x1400];
	[tilespmem:s24+$0x3C20] =	vst v8;
	v6 =	vadd.s32 v6, v7  }
0x57: {  	v7 =	vld [tilespmem:s25+$0x70];
	[tilespmem:s24+$0x3C30] =	vst v6;
	v3 =	vadd.s32 v3, v5  }
0x58: {  	v5 =	vld [tilespmem:s25+$0x1410];
	[tilespmem:s24+$0x3C40] =	vst v3;
	v2 =	vadd.s32 v4, v2  }
0x59: {  	v3 =	vld [tilespmem:s25+$0x1420];
	[tilespmem:s24+$0x3C50] =	vst v2;
	v1 =	vadd.s32 v10, v1  }
0x5a: {  	v2 =	vld [tilespmem:s25+$0x1430];
	v4 =	vmul.u32 $0x2710, v12;
	[tilespmem:s24+$0x3C60] =	vst v1;
	s24 =	smov.u32 s25  }
0x5b: {  	v10 =	vmul.u32 $0x2710, v9;
	v1 =	vld [tilespmem:s24+$0x1440]  }
0x5c: {  	v11 =	vld [tilespmem:s24+$0x1450];
	v4 =	vadd.s32 v7, v4  }
0x5d: {  	v12 =	vmul.u32 $0x2710, v5;
	v13 =	vld [tilespmem:s24+$0x1460];
	[tilespmem:s24+$0x3C70] =	vst v4  }
0x5e: {  	v4 =	vld [tilespmem:s24+$0x0];
	v9 =	vmul.u32 $0x2710, v3  }
0x5f: {  	v14 =	vld [tilespmem:s24+$0x10];
	v7 =	vmul.u32 $0x2710, v2  }
.Ltmp1:
0x60: {  	v8 =	vld [tilespmem:s24+$0x20];
	v5 =	vmul.u32 $0x2710, v1;
	(pc) =	sbr.rel @p1 .LBB2_4-.Ltmp1, $4  }
0x61: {  	v6 =	vld [tilespmem:s24+$0x30];
	v2 =	vmul.u32 $0x2710, v11  }
0x62: {  	v3 =	vld [tilespmem:s24+$0x40];
	v1 =	vmul.u32 $0x2710, v13  }
0x63: {  	v10 =	vadd.s32 v4, v10;
	v4 =	vld [tilespmem:s24+$0x50]  }
0x64: {  	s25 =	sshra.s32 s26, $0x2;
	s26 =	sadd.s32 $0x200, s26;
	[tilespmem:s24+$0x3C00] =	vst v10;
	v11 =	vadd.s32 v14, v12;
	v10 =	vld [tilespmem:s24+$0x60]  }
0x65: {  	v12 =	vld [tilespmem:s25+$0x1470];
	[tilespmem:s24+$0x3C10] =	vst v11;
	v8 =	vadd.s32 v8, v9  }
0x66: {  	v55 =	vld [tilespmem:s25+$0x1400];
	[tilespmem:s24+$0x3C20] =	vst v8;
	v6 =	vadd.s32 v6, v7  }
0x67: {  	v56 =	vld [tilespmem:s25+$0x70];
	[tilespmem:s24+$0x3C30] =	vst v6;
	v3 =	vadd.s32 v3, v5  }
0x68: {  	v57 =	vld [tilespmem:s25+$0x1410];
	[tilespmem:s24+$0x3C40] =	vst v3;
	v2 =	vadd.s32 v4, v2  }
0x69: {  	v3 =	vld [tilespmem:s25+$0x1420];
	[tilespmem:s24+$0x3C50] =	vst v2;
	v1 =	vadd.s32 v10, v1  }
0x6a: {  	v2 =	vld [tilespmem:s25+$0x1430];
	[tilespmem:s24+$0x3C60] =	vst v1  }
0x6b: {  	v1 =	vmul.u32 $0x2710, v12;
	v58 =	vld [tilespmem:s25+$0x1440]  }
0x6c: {  	v6 =	vld [tilespmem:s25+$0x1450]  }
0x6d: {  	v59 =	vld [tilespmem:s25+$0x1460];
	v1 =	vadd.s32 v56, v1  }
0x6e: {  	[tilespmem:s25+$0x3C70] =	vst v1;
	v1 =	vld [tilespmem:s25+$0x0]  }
0x6f: {  	v8 =	vld [tilespmem:s25+$0x10]  }
0x70: {  	v60 =	vld [tilespmem:s25+$0x20]  }
0x71: {  	v9 =	vmul.u32 $0x2710, v55;
	v11 =	vld [tilespmem:s25+$0x30]  }
0x72: {  	v61 =	vld [tilespmem:s25+$0x40];
	v5 =	vmul.u32 $0x2710, v57  }
0x73: {  	v62 =	vld [tilespmem:s25+$0x50];
	v3 =	vmul.u32 $0x2710, v3;
	v1 =	vadd.s32 v1, v9  }
0x74: {  	v63 =	vld [tilespmem:s25+$0x60];
	[tilespmem:s25+$0x3C00] =	vst v1;
	v1 =	vmul.u32 $0x2710, v2;
	v2 =	vadd.s32 v8, v5  }
0x75: {  	v4 =	vmul.u32 $0x2710, v58;
	[tilespmem:s25+$0x3C10] =	vst v2;
	v2 =	vadd.s32 v60, v3  }
0x76: {  	v3 =	vmul.u32 $0x2710, v6;
	[tilespmem:s25+$0x3C20] =	vst v2;
	v1 =	vadd.s32 v11, v1  }
0x77: {  	v2 =	vmul.u32 $0x2710, v59;
	[tilespmem:s25+$0x3C30] =	vst v1;
	v1 =	vadd.s32 v61, v4  }
0x78: {  	[tilespmem:s25+$0x3C40] =	vst v1;
	v1 =	vadd.s32 v62, v3  }
0x79: {  	[tilespmem:s25+$0x3C50] =	vst v1;
	v1 =	vadd.s32 v63, v2  }
0x7a: {  	s30 =	simm.s32 $0x3C00;
	[tilespmem:s25+$0x3C60] =	vst v1  }
0x7b: {  	[tilespmem:s16], [sflag:$0x1] =	stream.indirect.gather [hbm4b:s4+s20], $0x80, s30, s20, $0xb8;
	[tilespmem:$0x1D000] =	vst v63  }
0x7c: {  	_ =	swait.ge [sflag:s21], $0x4000  }
0x7d: {  	[sflag:s21] =	ssyncset.done $0x0  }
0x7e: {  	s31 =	simm.s32 $0x2800;
	[sflag:s21] =	ssyncadd.s32 $0xFFFFC000  }
0x7f: {  	[spmem:s2] =	stream.indirect.scatter.add.f32 [tilespmem:s16], [sflag:$0x2], $0x80, s31, s20, $0xb8;
	[tilespmem:$0x1D000] =	vst v63  }
0x80: {  	_ =	swait.ge [sflag:s17], $0x4000  }
0x81: {  	s24 =	simm.s32 $0x80;
	s25 =	simm.s32 $0x400;
	[sflag:s17] =	ssyncset.done $0x0  }
.LBB2_6:
0x82: {  	s26 =	sadd.s32 $0x3C00, s24  }
0x83: {  	[sflag:s17] =	ssyncadd.s32 $0xFFFFC000;
	s28 =	smov.u32 s25;
	s29 =	sadd.s32 $0x200, s25  }
0x84: {  	[tilespmem:s16], [sflag:$0x1] =	stream.indirect.gather [hbm4b:s4+s20], $0x80, s26, s20, $0xb8;
	[tilespmem:$0x1D000] =	vst v63  }
0x85: {  	p1 =	sne.s32 s25, $0x4E00;
	_ =	swait.ge [sflag:s21], $0x4000  }
.Ltmp2:
0x86: {  	[sflag:s21] =	ssyncset.done $0x0;
	(pc) =	sbr.rel @p1 .LBB2_6-.Ltmp2, $4  }
0x87: {  	s24 =	sadd.s32 $0x2800, s24;
	[sflag:s21] =	ssyncadd.s32 $0xFFFFC000  }
0x88: {  	[spmem:s2] =	stream.indirect.scatter.add.f32 [tilespmem:s16], [sflag:$0x2], $0x80, s24, s20, $0xb8;
	[tilespmem:$0x1D000] =	vst v63  }
0x89: {  	_ =	swait.ge [sflag:s17], $0x4000  }
0x8a: {  	s25 =	smov.u32 s29;
	s24 =	sshra.s32 s28, $0x2;
	[sflag:s17] =	ssyncset.done $0x0  }
0x8b: {  	s25 =	sadd.s32 $0x3C00, s24;
	[sflag:s17] =	ssyncadd.s32 $0xFFFFC000  }
0x8c: {  	[tilespmem:s16], [sflag:$0x1] =	stream.indirect.gather [hbm4b:s4+s20], $0x80, s25, s20, $0xb8;
	[tilespmem:$0x1D000] =	vst v63  }
0x8d: {  	_ =	swait.ge [sflag:s21], $0x4000  }
0x8e: {  	[sflag:s21] =	ssyncset.done $0x0  }
0x8f: {  	s31 =	sadd.s32 $0x2800, s24;
	[sflag:s21] =	ssyncadd.s32 $0xFFFFC000  }
0x90: {  	[spmem:s2] =	stream.indirect.scatter.add.f32 [tilespmem:s16], [sflag:$0x2], $0x80, s31, s20, $0xb8;
	[tilespmem:$0x1D000] =	vst v63  }
0x91: {  	_ =	swait.ge [sflag:s17], $0x4000  }
0x92: {  	[sflag:s17] =	ssyncset.done $0x0  }
0x93: {  	[sflag:s17] =	ssyncadd.s32 $0xFFFFC000  }
0x94: {  	s24 =	simm.s32 @p0 $0x1FC2;
	[bflag:$0x0] =	sbarrier.arrive $0xFFFF  }
0x95: {  	[hbm:s14], [sflag:s24] =	dma.local @p0 [spmem:s22], $0x2080  }
0x96: {  	s24 =	simm.s32 @p0 $0x2  }
0x97: {  	_ =	swait.ge @p0 [sflag:s24], $0x2080  }
0x98: {  	s3 =	sadd.s32 $0x1, s3;
	s25 =	sshll.u32 @!p0 s0, $0x6;
	[sflag:s24] =	ssyncset.done @p0 $0x0  }
0x99: {  	p1 =	sne.s32 s3, s15;
	[sflag:s24] =	ssyncadd.s32 @p0 $0xFFFFDF80;
	s24 =	sor.u32 @!p0 $0x1C02, s25  }
0x9a: {  	[hbm:s13], [sflag:s24] =	dma.local @!p0 [spmem:s23], $0x2780  }
.Ltmp3:
0x9b: {  	_ = 	snop;
	(pc) =	sbr.rel @p1 .LBB2_1-.Ltmp3, $4  }
0x9c: {  	s24 =	simm.s32 @!p0 $0x2  }
0x9d: {  	_ =	swait.ge @!p0 [sflag:s24], $0x2780  }
0x9e: {  	[sflag:s24] =	ssyncset.done @!p0 $0x0  }
0x9f: {  	[sflag:s24] =	ssyncadd.s32 @!p0 $0xFFFFD880  }
0xa0: {  	_ =	sfence.sel $0x180000  }
0xa1: {  	[bflag:$0x0] =	sbarrier.arrive $0xFFFF  }
0xa2: {  	p0 =	sne.s32 s0, $0x0;
	_ =	strace $0x90000047  }
0xa3: {  	s0 =	sadd.s32 @!p0 $0x100000, s1;
	[bflag:$0x2] =	sbarrier.arrive $0xFFFF  }
0xa4: {  	[sflag:s0] =	ssyncadd.tile.s32 @!p0 $0x1;
	_ =	shalt  }
.Lfunc_end2:
_tile_overlayer_lowered:
.L_overlay_start_2:
0xa5: {  	(tag) =	ssettag $0x2  }
0xa6: {  	s0 =	rddreg [dreg:$0x0];
	s2 =	stileid.u32  }
0xa7: {  	s1 =	rddreg [dreg:$0x1];
	p0 =	sne.s32 s2, $0x0  }
0xa8: {  	s3 =	rddreg [dreg:$0x2];
	[bflag:$0x3] =	sbarrier.arrive $0xFFFF;
	s2 =	simm.s32 @!p0 $0x1C02  }
0xa9: {  	[timem:s3], [sflag:s2] =	dma.local @!p0 [hbm:s0], s1  }
0xaa: {  	s0 =	simm.s32 @!p0 $0x2  }
0xab: {  	_ =	swait.ge @!p0 [sflag:s0], s1  }
0xac: {  	s1 =	ssub.s32 @!p0 $0x0, s1;
	[sflag:s0] =	ssyncset.done @!p0 $0x0  }
0xad: {  	[sflag:s0] =	ssyncadd.s32 @!p0 s1  }
0xae: {  	[bflag:$0x3] =	sbarrier.arrive $0xFFFF  }
0xaf: {  	_ =	shalt  }

</sc_bundles>
